<compile_context>
chip_gen: v7x
topology: tpu7x:2x2x1
jax: 0.10.2.dev20260603
libtpu: 0.0.44.dev20260713+nightly
codegen_flags: <defaults>
</compile_context>

<pallas_src>
import functools

import jax
import jax.numpy as jnp
from jax import lax
from jax.experimental import pallas as pl
from jax.experimental.pallas import tpu as pltpu
from jax.experimental.pallas import tpu_sc as plsc

NB = 4
NP = 8192
NC = 1024
NS = 32
RAD2 = 0.4 * 0.4
SBLK = 128
DPAD = 128



NPR = 8
NPL = NP // NPR


def _fps_body(xyz_ref, nxyz_ref, dist_ref):
    riota = lax.broadcasted_iota(jnp.int32, (NPR, NPL), 0)
    ciota = lax.broadcasted_iota(jnp.int32, (NPR, NPL), 1)
    n_iota = riota * NPL + ciota
    siota = lax.broadcasted_iota(jnp.int32, (1, NC), 1)
    diota = lax.broadcasted_iota(jnp.int32, (8, 1), 0)
    dist_ref[...] = jnp.full((NB * NPR, NPL), 1e10, jnp.float32)
    nxyz_ref[...] = jnp.zeros((NB * 8, NC), jnp.float32)
    planes = []
    for b in range(NB):
        planes.append([xyz_ref[(b * 3 + d) * NPR:(b * 3 + d + 1) * NPR, :]
                       for d in range(3)])

    def body(i, fars):
        sel_i = siota == i
        new_fars = []
        for b in range(NB):
            far = fars[b]
            x, y, z = planes[b]
            oh = n_iota == far
            cx = jnp.sum(jnp.where(oh, x, 0.0))
            cy = jnp.sum(jnp.where(oh, y, 0.0))
            cz = jnp.sum(jnp.where(oh, z, 0.0))
            d = (x - cx) ** 2 + (y - cy) ** 2 + (z - cz) ** 2
            dist = jnp.minimum(dist_ref[b * NPR:(b + 1) * NPR, :], d)
            dist_ref[b * NPR:(b + 1) * NPR, :] = dist
            val = jnp.where(diota == 0, cx,
                            jnp.where(diota == 1, cy,
                                      jnp.where(diota == 2, cz, 0.0)))
            cur = nxyz_ref[b * 8:(b + 1) * 8, :]
            nxyz_ref[b * 8:(b + 1) * 8, :] = jnp.where(sel_i, val, cur)
            m = jnp.max(dist)
            new_fars.append(jnp.min(jnp.where(dist == m, n_iota, NP)))
        return tuple(new_fars)

    lax.fori_loop(0, NC, body, tuple(jnp.int32(0) for _ in range(NB)))


def _run_fps(xyz_planes):
    return pl.pallas_call(
        _fps_body,
        grid=(1,),
        in_specs=[pl.BlockSpec((NB * 3 * NPR, NPL), lambda t: (0, 0))],
        out_specs=pl.BlockSpec((NB * 8, NC), lambda t: (0, 0)),
        out_shape=jax.ShapeDtypeStruct((NB * 8, NC), jnp.float32),
        scratch_shapes=[
            pltpu.VMEM((NB * NPR, NPL), jnp.float32),
        ],
    )(xyz_planes)



def _bq_body(xyz_ref, nx_ref, idx_ref):
    t = pl.program_id(0)
    b = t // (NC // SBLK)
    pts = xyz_ref[...]
    cen = nx_ref[...]
    s2 = jnp.sum(pts * pts, axis=0, keepdims=True)
    s1 = jnp.sum(cen * cen, axis=1, keepdims=True)
    cross = jnp.dot(cen, pts, preferred_element_type=jnp.float32)
    d2 = s1 + s2 - 2.0 * cross
    lane = lax.broadcasted_iota(jnp.int32, (1, NP), 1)
    masked = jnp.where(d2 <= RAD2, lane, NP)
    kiota = lax.broadcasted_iota(jnp.int32, (1, NS), 1)
    out = jnp.zeros((SBLK, NS), jnp.int32)
    first = None
    for k in range(NS):
        m = jnp.min(masked, axis=1, keepdims=True)
        if k == 0:
            first = m
            col = m
        else:
            col = jnp.where(m == NP, first, m)
        out = jnp.where(kiota == k, col, out)
        if k < NS - 1:
            masked = jnp.where(masked == m, NP, masked)
    idx_ref[...] = out + b * NP


def _run_bq(xyz_pad, nxyz_rows):
    return pl.pallas_call(
        _bq_body,
        grid=(NB * NC // SBLK,),
        in_specs=[
            pl.BlockSpec((8, NP), lambda t: (t // (NC // SBLK), 0)),
            pl.BlockSpec((SBLK, 8), lambda t: (t, 0)),
        ],
        out_specs=pl.BlockSpec((SBLK, NS), lambda t: (t, 0)),
        out_shape=jax.ShapeDtypeStruct((NB * NC, NS), jnp.int32),
    )(xyz_pad, nxyz_rows)



def _sc_gather(table, idx):
    total = idx.shape[0]
    info = plsc.get_sparse_core_info()
    nworkers = info.num_cores * info.num_subcores
    per_w = total // nworkers
    ch = 512
    nch = per_w // ch
    mesh = plsc.VectorSubcoreMesh(core_axis_name="c", subcore_axis_name="s")

    @functools.partial(
        pl.kernel,
        mesh=mesh,
        out_type=jax.ShapeDtypeStruct((total, DPAD), jnp.float32),
        scratch_types=[
            pltpu.VMEM((ch,), jnp.int32),
            pltpu.VMEM((ch, DPAD), jnp.float32),
            pltpu.SemaphoreType.DMA,
        ],
    )
    def gather_k(table_hbm, idx_hbm, out_hbm, idx_v, rows_v, sem):
        wid = lax.axis_index("s") * info.num_cores + lax.axis_index("c")
        base = wid * per_w

        def chunk(j, carry):
            off = base + j * ch
            pltpu.sync_copy(idx_hbm.at[pl.ds(off, ch)], idx_v)
            pltpu.async_copy(table_hbm.at[idx_v], rows_v, sem).wait()
            pltpu.sync_copy(rows_v, out_hbm.at[pl.ds(off, ch)])
            return carry

        lax.fori_loop(0, nch, chunk, 0)

    return gather_k(table, idx)



def _mlp_body(g_ref, nx_ref, w1_ref, b1_ref, w2_ref, b2_ref, w3_ref,
              b3_ref, w1x_ref, out_ref):
    g = g_ref[...]
    h = jnp.dot(g, w1_ref[...], preferred_element_type=jnp.float32)
    h = h + b1_ref[...]
    corr = jnp.dot(nx_ref[...], w1x_ref[...],
                   preferred_element_type=jnp.float32)
    h = h.reshape(SBLK, NS, 128) - corr[:, None, :]
    h = jnp.maximum(h, 0.0).reshape(SBLK * NS, 128)
    h = jnp.dot(h, w2_ref[...], preferred_element_type=jnp.float32)
    h = jnp.maximum(h + b2_ref[...], 0.0)
    h = jnp.dot(h, w3_ref[...], preferred_element_type=jnp.float32)
    h = jnp.maximum(h + b3_ref[...], 0.0)
    out_ref[...] = jnp.max(h.reshape(SBLK, NS, 256), axis=1)


def _run_mlp(gathered, nxyz_rows, w1p, b1r, w2, b2r, w3, b3r, w1x):
    return pl.pallas_call(
        _mlp_body,
        grid=(NB * NC // SBLK,),
        in_specs=[
            pl.BlockSpec((SBLK * NS, DPAD), lambda t: (t, 0)),
            pl.BlockSpec((SBLK, 8), lambda t: (t, 0)),
            pl.BlockSpec((DPAD, 128), lambda t: (0, 0)),
            pl.BlockSpec((1, 128), lambda t: (0, 0)),
            pl.BlockSpec((128, 128), lambda t: (0, 0)),
            pl.BlockSpec((1, 128), lambda t: (0, 0)),
            pl.BlockSpec((128, 256), lambda t: (0, 0)),
            pl.BlockSpec((1, 256), lambda t: (0, 0)),
            pl.BlockSpec((8, 128), lambda t: (0, 0)),
        ],
        out_specs=pl.BlockSpec((SBLK, 256), lambda t: (t, 0)),
        out_shape=jax.ShapeDtypeStruct((NB * NC, 256), jnp.float32),
    )(gathered, nxyz_rows, w1p, b1r, w2, b2r, w3, b3r, w1x)



def kernel(xyz, points, W1, b1, W2, b2, W3, b3):
    feats = points[:, 3:, :]
    zpad = jnp.zeros((NB, 5, NP), jnp.float32)
    xyz_pad = jnp.concatenate([xyz, zpad], axis=1).reshape(NB * 8, NP)
    xyz_planes = xyz.reshape(NB * 3 * NPR, NPL)

    nxyz8 = _run_fps(xyz_planes)
    nxyz_rows = (nxyz8.reshape(NB, 8, NC)
                 .transpose(0, 2, 1).reshape(NB * NC, 8))

    idx = _run_bq(xyz_pad, nxyz_rows)

    table = jnp.concatenate(
        [jnp.transpose(xyz, (0, 2, 1)),
         jnp.transpose(feats, (0, 2, 1)),
         jnp.zeros((NB, NP, DPAD - 67), jnp.float32)],
        axis=2).reshape(NB * NP, DPAD)
    gathered = _sc_gather(table, idx.reshape(-1))

    w1p = jnp.concatenate(
        [W1, jnp.zeros((DPAD - 67, 128), jnp.float32)], axis=0)
    w1x = jnp.concatenate(
        [W1[:3], jnp.zeros((5, 128), jnp.float32)], axis=0)
    nf = _run_mlp(gathered, nxyz_rows, w1p, b1.reshape(1, 128),
                  W2, b2.reshape(1, 128), W3, b3.reshape(1, 256), w1x)

    new_xyz = nxyz_rows.reshape(NB, NC, 8)[:, :, :3].transpose(0, 2, 1)
    return new_xyz, nf.reshape(NB, NC, 256).transpose(0, 2, 1)

# --- scband reference (transcript-rebuilt; emitter-appended) ---
"""Pipeline reference for scband-pointnet-samodule-base-69956427317574 (READ-ONLY COPY).

The authoritative reference and input builder live on the scoring server;
editing this copy changes nothing except your own understanding.
"""

import jax, jax.numpy as jnp
import numpy as np

B, N, S, NS, R = 4, 8192, 1024, 32, 0.4


def _fps(xyz, npoint):
    b, n, _ = xyz.shape
    def body(i, state):
        dist, far, idxs = state
        idxs = idxs.at[:, i].set(far)
        centroid = jnp.take_along_axis(xyz, far[:, None, None].astype(jnp.int32), axis=1)
        d = jnp.sum((xyz - centroid) ** 2, axis=-1)
        dist = jnp.minimum(dist, d)
        far = jnp.argmax(dist, axis=-1).astype(jnp.int32)
        return (dist, far, idxs)
    dist = jnp.full((b, n), 1e10, jnp.float32)
    far = jnp.zeros((b,), jnp.int32)
    idxs = jnp.zeros((b, npoint), jnp.int32)
    _, _, idxs = jax.lax.fori_loop(0, npoint, body, (dist, far, idxs))
    return idxs


def _ball_query(xyz, new_xyz, radius, nsample):
    b, n, _ = xyz.shape
    s = new_xyz.shape[1]
    d2 = (jnp.sum(new_xyz ** 2, -1)[:, :, None]
          + jnp.sum(xyz ** 2, -1)[:, None, :]
          - 2.0 * jnp.einsum('bsd,bnd->bsn', new_xyz, xyz))
    gi = jnp.broadcast_to(jnp.arange(n, dtype=jnp.int32), (b, s, n))
    gi = jnp.where(d2 > radius * radius, n, gi)
    gi = jnp.sort(gi, axis=-1)[:, :, :nsample]
    first = gi[:, :, 0:1]
    gi = jnp.where(gi == n, first, gi)
    return jnp.clip(gi, 0, n - 1)


def _gather(pts, idx):
    return jax.vmap(lambda p, i: p[i])(pts, idx)


def setup_inputs(seed: int = 0) -> dict:
    key = jax.random.key(seed)
    ks = jax.random.split(key, 8)
    return {
        'xyz': jax.random.normal(ks[0], (B, 3, N), jnp.float32),
        'points': jax.random.normal(ks[1], (B, 67, N), jnp.float32),
        'W1': jax.random.normal(ks[2], (67, 128), jnp.float32) * 0.08,
        'b1': jnp.zeros((128,), jnp.float32),
        'W2': jax.random.normal(ks[3], (128, 128), jnp.float32) * 0.08,
        'b2': jnp.zeros((128,), jnp.float32),
        'W3': jax.random.normal(ks[4], (128, 256), jnp.float32) * 0.08,
        'b3': jnp.zeros((256,), jnp.float32),
    }


def reference(xyz, points, W1, b1, W2, b2, W3, b3):
    features = points[:, 3:, :]
    xyz_t = jnp.transpose(xyz, (0, 2, 1))
    fps_idx = _fps(jax.lax.stop_gradient(xyz_t), S)
    new_xyz = jnp.take_along_axis(xyz_t, fps_idx[:, :, None].astype(jnp.int32), axis=1)
    idx = _ball_query(jax.lax.stop_gradient(xyz_t), jax.lax.stop_gradient(new_xyz), R, NS)
    grouped_xyz = _gather(xyz_t, idx) - new_xyz[:, :, None, :]
    grouped_feat = _gather(jnp.transpose(features, (0, 2, 1)), idx)
    g = jnp.concatenate([grouped_xyz, grouped_feat], axis=-1)
    h = jax.nn.relu(g @ W1 + b1)
    h = jax.nn.relu(h @ W2 + b2)
    h = jax.nn.relu(h @ W3 + b3)
    nf = jnp.max(h, axis=2)
    return (jnp.transpose(new_xyz, (0, 2, 1)), jnp.transpose(nf, (0, 2, 1)))

if __name__ == "__main__":
    import jax
    _d = setup_inputs()
    print(jax.jit(kernel)(*tuple(_d.values())))

</pallas_src>

<mosaic_0001>
#map = affine_map<(d0, d1) -> (0, 0)>
#map1 = affine_map<(d0, d1) -> (0)>
module attributes {stable_mosaic.version = 14 : i64} {
  func.func @gather_k(%arg0: i32, %arg1: i32, %arg2: memref<32768x128xf32, #tpu.memory_space<hbm>>, %arg3: memref<131072xi32, #tpu.memory_space<hbm>>, %arg4: memref<131072x128xf32, #tpu.memory_space<hbm>>, %arg5: memref<512xi32, #tpu.memory_space<vmem>>, %arg6: memref<512x128xf32, #tpu.memory_space<vmem>>, %arg7: memref<!tpu.dma_semaphore, #tpu.memory_space<semaphore_mem>>) attributes {dimension_semantics = [#tpu.dimension_semantics<core_parallel>, #tpu.dimension_semantics<subcore_parallel>], iteration_bounds = array<i64: 2, 16>, scalar_prefetch = 0 : i64, scratch_operands = 3 : i64, tpu.core_type = #tpu.core_type<sc_vector_subcore>, window_params = [{transform_indices = #map}, {transform_indices = #map1}, {transform_indices = #map}]} {
    %mul3A = arith.constant 2 : i32
    %mul3A_0 = arith.muli %arg1, %mul3A : i32
    %add3A = arith.addi %mul3A_0, %arg0 : i32
    %mul3A_1 = arith.constant 4096 : i32
    %mul3A_2 = arith.muli %add3A, %mul3A_1 : i32
    %scan3A = arith.constant 0 : i32
    %scan3A_3 = arith.constant 0 : i32
    %scan3A_4 = arith.constant 8 : i32
    %scan3A_5 = arith.addi %scan3A_3, %scan3A_4 : i32
    %scan3A_6 = arith.constant 1 : i32
    scf.for %scan3A_8 = %scan3A_3 to %scan3A_5 step %scan3A_6  : i32 {
      %mul3A_9 = arith.constant 512 : i32
      %mul3A_10 = arith.muli %scan3A_8, %mul3A_9 : i32
      %add3A_11 = arith.addi %mul3A_2, %mul3A_10 : i32
      "tpu.region"() ({
        %run_scoped3A = tpu.sem_alloc : memref<!tpu.dma_semaphore, #tpu.memory_space<semaphore_mem>>
        %dma_start3A_16 = tpu.memref_slice %arg3[%add3A_11] : memref<131072xi32, #tpu.memory_space<hbm>> -> memref<512xi32, #tpu.memory_space<hbm>>
        %dma_start3A_17 = tpu.memref_slice %arg3[%add3A_11] : memref<131072xi32, #tpu.memory_space<hbm>> -> memref<512xi32, #tpu.memory_space<hbm>>
        tpu.enqueue_dma source(%dma_start3A_17 : memref<512xi32, #tpu.memory_space<hbm>>) target(%arg5 : memref<512xi32, #tpu.memory_space<vmem>>) target_semaphore(%run_scoped3A : memref<!tpu.dma_semaphore, #tpu.memory_space<semaphore_mem>>)
        %dma_wait3A_18 = tpu.memref_slice %arg3[%add3A_11] : memref<131072xi32, #tpu.memory_space<hbm>> -> memref<512xi32, #tpu.memory_space<hbm>>
        %dma_wait3A_19 = tpu.memref_slice %arg3[%add3A_11] : memref<131072xi32, #tpu.memory_space<hbm>> -> memref<512xi32, #tpu.memory_space<hbm>>
        tpu.wait_dma2 semaphore(%run_scoped3A : memref<!tpu.dma_semaphore, #tpu.memory_space<semaphore_mem>>) src(%dma_wait3A_19 : memref<512xi32, #tpu.memory_space<hbm>>) dst(%arg5 : memref<512xi32, #tpu.memory_space<vmem>>)
        tpu.yield
      }) : () -> ()
      %dma_start3A = arith.constant 0 : i32
      %dma_start3A_12 = arith.constant 0 : i32
      %dma_start3A_13 = tpu.memref_slice %arg2[%dma_start3A, %dma_start3A_12] : memref<32768x128xf32, #tpu.memory_space<hbm>> -> memref<32768x128xf32, #tpu.memory_space<hbm>>
      tpu.enqueue_indirect_dma source(%dma_start3A_13 : memref<32768x128xf32, #tpu.memory_space<hbm>>) target(%arg6 : memref<512x128xf32, #tpu.memory_space<vmem>>) offsets(%arg5 : memref<512xi32, #tpu.memory_space<vmem>>) semaphore(%arg7 : memref<!tpu.dma_semaphore, #tpu.memory_space<semaphore_mem>>)
      %dma_wait3A = arith.constant 0 : i32
      %dma_wait3A_14 = arith.constant 0 : i32
      %dma_wait3A_15 = tpu.memref_slice %arg2[%dma_wait3A, %dma_wait3A_14] : memref<32768x128xf32, #tpu.memory_space<hbm>> -> memref<32768x128xf32, #tpu.memory_space<hbm>>
      tpu.wait_indirect_dma semaphore(%arg7 : memref<!tpu.dma_semaphore, #tpu.memory_space<semaphore_mem>>) src(%dma_wait3A_15 : memref<32768x128xf32, #tpu.memory_space<hbm>>) dst(%arg6 : memref<512x128xf32, #tpu.memory_space<vmem>>)
      "tpu.region"() ({
        %run_scoped3A = tpu.sem_alloc : memref<!tpu.dma_semaphore, #tpu.memory_space<semaphore_mem>>
        %dma_start3A_16 = arith.constant 0 : i32
        %dma_start3A_17 = tpu.memref_slice %arg4[%add3A_11, %dma_start3A_16] : memref<131072x128xf32, #tpu.memory_space<hbm>> -> memref<512x128xf32, #tpu.memory_space<hbm>>
        %dma_start3A_18 = arith.constant 0 : i32
        %dma_start3A_19 = tpu.memref_slice %arg4[%add3A_11, %dma_start3A_18] : memref<131072x128xf32, #tpu.memory_space<hbm>> -> memref<512x128xf32, #tpu.memory_space<hbm>>
        tpu.enqueue_dma source(%arg6 : memref<512x128xf32, #tpu.memory_space<vmem>>) target(%dma_start3A_19 : memref<512x128xf32, #tpu.memory_space<hbm>>) target_semaphore(%run_scoped3A : memref<!tpu.dma_semaphore, #tpu.memory_space<semaphore_mem>>)
        %dma_wait3A_20 = arith.constant 0 : i32
        %dma_wait3A_21 = tpu.memref_slice %arg4[%add3A_11, %dma_wait3A_20] : memref<131072x128xf32, #tpu.memory_space<hbm>> -> memref<512x128xf32, #tpu.memory_space<hbm>>
        %dma_wait3A_22 = arith.constant 0 : i32
        %dma_wait3A_23 = tpu.memref_slice %arg4[%add3A_11, %dma_wait3A_22] : memref<131072x128xf32, #tpu.memory_space<hbm>> -> memref<512x128xf32, #tpu.memory_space<hbm>>
        tpu.wait_dma2 semaphore(%run_scoped3A : memref<!tpu.dma_semaphore, #tpu.memory_space<semaphore_mem>>) src(%arg6 : memref<512x128xf32, #tpu.memory_space<vmem>>) dst(%dma_wait3A_23 : memref<512x128xf32, #tpu.memory_space<hbm>>)
        tpu.yield
      }) : () -> ()
    }
    %scan3A_7 = arith.constant 8 : i32
    return
  }
}

module attributes {stable_mosaic.version = 14 : i64} {
  func.func @_fps_body(%arg0: i32, %arg1: memref<96x1024xf32, #tpu.memory_space<vmem>>, %arg2: memref<32x1024xf32, #tpu.memory_space<vmem>>, %arg3: memref<32x1024xf32, #tpu.memory_space<vmem>>) attributes {dimension_semantics = [#tpu.dimension_semantics<arbitrary>], iteration_bounds = array<i64: 1>, scalar_prefetch = 0 : i64, scratch_operands = 1 : i64, tpu.core_type = #tpu.core_type<tc>, window_params = [{pipeline_mode = #tpu.pipeline_mode<synchronous>, transform_indices = @transform_0, window_bounds = array<i64: 96, 1024>}, {pipeline_mode = #tpu.pipeline_mode<synchronous>, transform_indices = @transform_1, window_bounds = array<i64: 32, 1024>}]} {
    %iota3A = tpu.iota {dimensions = array<i32: 0>} : vector<8x1024xi32>
    %iota3A_0 = tpu.iota {dimensions = array<i32: 1>} : vector<8x1024xi32>
    %mul3A = arith.constant 1024 : i32
    %mul3A_1 = vector.broadcast %mul3A : i32 to vector<8x1024xi32>
    %mul3A_2 = arith.muli %iota3A, %mul3A_1 : vector<8x1024xi32>
    %add3A = arith.addi %mul3A_2, %iota3A_0 : vector<8x1024xi32>
    %iota3A_3 = tpu.iota {dimensions = array<i32: 1>} : vector<1x1024xi32>
    %iota3A_4 = tpu.iota {dimensions = array<i32: 0>} : vector<8x1xi32>
    %broadcast_in_dim3A = arith.constant 1.000000e+10 : f32
    %broadcast_in_dim3A_5 = vector.broadcast %broadcast_in_dim3A : f32 to vector<32x1024xf32>
    %swap3A = arith.constant 0 : index
    %swap3A_6 = arith.constant 0 : index
    %swap3A_7 = vector.load %arg3[%swap3A, %swap3A_6] : memref<32x1024xf32, #tpu.memory_space<vmem>>, vector<32x1024xf32>
    tpu.vector_store %arg3[%swap3A, %swap3A_6], %broadcast_in_dim3A_5 {strides = array<i32>} : memref<32x1024xf32, #tpu.memory_space<vmem>>, vector<32x1024xf32>,
    %broadcast_in_dim3A_8 = arith.constant 0.000000e+00 : f32
    %broadcast_in_dim3A_9 = vector.broadcast %broadcast_in_dim3A_8 : f32 to vector<32x1024xf32>
    %swap3A_10 = arith.constant 0 : index
    %swap3A_11 = arith.constant 0 : index
    %swap3A_12 = vector.load %arg2[%swap3A_10, %swap3A_11] : memref<32x1024xf32, #tpu.memory_space<vmem>>, vector<32x1024xf32>
    tpu.vector_store %arg2[%swap3A_10, %swap3A_11], %broadcast_in_dim3A_9 {strides = array<i32>} : memref<32x1024xf32, #tpu.memory_space<vmem>>, vector<32x1024xf32>,
    %get3A = arith.constant 0 : index
    %get3A_13 = arith.constant 0 : index
    %get3A_14 = vector.load %arg1[%get3A, %get3A_13] : memref<96x1024xf32, #tpu.memory_space<vmem>>, vector<8x1024xf32>
    %get3A_15 = arith.constant 8 : index
    %get3A_16 = arith.constant 0 : index
    %get3A_17 = vector.load %arg1[%get3A_15, %get3A_16] : memref<96x1024xf32, #tpu.memory_space<vmem>>, vector<8x1024xf32>
    %get3A_18 = arith.constant 16 : index
    %get3A_19 = arith.constant 0 : index
    %get3A_20 = vector.load %arg1[%get3A_18, %get3A_19] : memref<96x1024xf32, #tpu.memory_space<vmem>>, vector<8x1024xf32>
    %get3A_21 = arith.constant 24 : index
    %get3A_22 = arith.constant 0 : index
    %get3A_23 = vector.load %arg1[%get3A_21, %get3A_22] : memref<96x1024xf32, #tpu.memory_space<vmem>>, vector<8x1024xf32>
    %get3A_24 = arith.constant 32 : index
    %get3A_25 = arith.constant 0 : index
    %get3A_26 = vector.load %arg1[%get3A_24, %get3A_25] : memref<96x1024xf32, #tpu.memory_space<vmem>>, vector<8x1024xf32>
    %get3A_27 = arith.constant 40 : index
    %get3A_28 = arith.constant 0 : index
    %get3A_29 = vector.load %arg1[%get3A_27, %get3A_28] : memref<96x1024xf32, #tpu.memory_space<vmem>>, vector<8x1024xf32>
    %get3A_30 = arith.constant 48 : index
    %get3A_31 = arith.constant 0 : index
    %get3A_32 = vector.load %arg1[%get3A_30, %get3A_31] : memref<96x1024xf32, #tpu.memory_space<vmem>>, vector<8x1024xf32>
    %get3A_33 = arith.constant 56 : index
    %get3A_34 = arith.constant 0 : index
    %get3A_35 = vector.load %arg1[%get3A_33, %get3A_34] : memref<96x1024xf32, #tpu.memory_space<vmem>>, vector<8x1024xf32>
    %get3A_36 = arith.constant 64 : index
    %get3A_37 = arith.constant 0 : index
    %get3A_38 = vector.load %arg1[%get3A_36, %get3A_37] : memref<96x1024xf32, #tpu.memory_space<vmem>>, vector<8x1024xf32>
    %get3A_39 = arith.constant 72 : index
    %get3A_40 = arith.constant 0 : index
    %get3A_41 = vector.load %arg1[%get3A_39, %get3A_40] : memref<96x1024xf32, #tpu.memory_space<vmem>>, vector<8x1024xf32>
    %get3A_42 = arith.constant 80 : index
    %get3A_43 = arith.constant 0 : index
    %get3A_44 = vector.load %arg1[%get3A_42, %get3A_43] : memref<96x1024xf32, #tpu.memory_space<vmem>>, vector<8x1024xf32>
    %get3A_45 = arith.constant 88 : index
    %get3A_46 = arith.constant 0 : index
    %get3A_47 = vector.load %arg1[%get3A_45, %get3A_46] : memref<96x1024xf32, #tpu.memory_space<vmem>>, vector<8x1024xf32>
    %scan3A = arith.constant 0 : i32
    %scan3A_48 = arith.constant 0 : i32
    %scan3A_49 = arith.constant 0 : i32
    %scan3A_50 = arith.constant 0 : i32
    %scan3A_51 = arith.constant 0 : i32
    %scan3A_52 = arith.constant 1024 : i32
    %scan3A_53 = arith.addi %scan3A_51, %scan3A_52 : i32
    %scan3A_54 = arith.constant 1 : i32
    %scan3A_55:4 = scf.for %scan3A_57 = %scan3A_51 to %scan3A_53 step %scan3A_54 iter_args(%scan3A_58 = %scan3A, %scan3A_59 = %scan3A_48, %scan3A_60 = %scan3A_49, %scan3A_61 = %scan3A_50) -> (i32, i32, i32, i32)  : i32 {
      %eq3A = vector.broadcast %scan3A_57 : i32 to vector<1x1024xi32>
      %eq3A_62 = arith.cmpi eq, %iota3A_3, %eq3A : vector<1x1024xi32>
      %eq3A_63 = vector.broadcast %scan3A_58 : i32 to vector<8x1024xi32>
      %eq3A_64 = arith.cmpi eq, %add3A, %eq3A_63 : vector<8x1024xi32>
      %jit3A = arith.constant 0.000000e+00 : f32
      %broadcast_in_dim3A_65 = vector.broadcast %jit3A : f32 to vector<8x1024xf32>
      %select_n3A = arith.select %eq3A_64, %get3A_14, %broadcast_in_dim3A_65 : vector<8x1024xi1>, vector<8x1024xf32>
      %reduce_sum3A = vector.shape_cast %select_n3A : vector<8x1024xf32> to vector<1x8x1024xf32>
      %reduce_sum3A_66 = arith.constant dense<0.000000e+00> : vector<1xf32>
      %reduce_sum3A_67 = vector.multi_reduction <add>, %reduce_sum3A, %reduce_sum3A_66 [1, 2] : vector<1x8x1024xf32> to vector<1xf32>
      %reduce_sum3A_68 = vector.shape_cast %reduce_sum3A_67 : vector<1xf32> to vector<1x1x1xf32>
      %reduce_sum3A_69 = vector.extract %reduce_sum3A_68[0, 0, 0] : f32 from vector<1x1x1xf32>
      %jit3A_70 = arith.constant 0.000000e+00 : f32
      %broadcast_in_dim3A_71 = vector.broadcast %jit3A_70 : f32 to vector<8x1024xf32>
      %select_n3A_72 = arith.select %eq3A_64, %get3A_17, %broadcast_in_dim3A_71 : vector<8x1024xi1>, vector<8x1024xf32>
      %reduce_sum3A_73 = vector.shape_cast %select_n3A_72 : vector<8x1024xf32> to vector<1x8x1024xf32>
      %reduce_sum3A_74 = arith.constant dense<0.000000e+00> : vector<1xf32>
      %reduce_sum3A_75 = vector.multi_reduction <add>, %reduce_sum3A_73, %reduce_sum3A_74 [1, 2] : vector<1x8x1024xf32> to vector<1xf32>
      %reduce_sum3A_76 = vector.shape_cast %reduce_sum3A_75 : vector<1xf32> to vector<1x1x1xf32>
      %reduce_sum3A_77 = vector.extract %reduce_sum3A_76[0, 0, 0] : f32 from vector<1x1x1xf32>
      %jit3A_78 = arith.constant 0.000000e+00 : f32
      %broadcast_in_dim3A_79 = vector.broadcast %jit3A_78 : f32 to vector<8x1024xf32>
      %select_n3A_80 = arith.select %eq3A_64, %get3A_20, %broadcast_in_dim3A_79 : vector<8x1024xi1>, vector<8x1024xf32>
      %reduce_sum3A_81 = vector.shape_cast %select_n3A_80 : vector<8x1024xf32> to vector<1x8x1024xf32>
      %reduce_sum3A_82 = arith.constant dense<0.000000e+00> : vector<1xf32>
      %reduce_sum3A_83 = vector.multi_reduction <add>, %reduce_sum3A_81, %reduce_sum3A_82 [1, 2] : vector<1x8x1024xf32> to vector<1xf32>
      %reduce_sum3A_84 = vector.shape_cast %reduce_sum3A_83 : vector<1xf32> to vector<1x1x1xf32>
      %reduce_sum3A_85 = vector.extract %reduce_sum3A_84[0, 0, 0] : f32 from vector<1x1x1xf32>
      %sub3A = vector.broadcast %reduce_sum3A_69 : f32 to vector<8x1024xf32>
      %sub3A_86 = arith.subf %get3A_14, %sub3A : vector<8x1024xf32>
      %integer_pow3A = arith.mulf %sub3A_86, %sub3A_86 : vector<8x1024xf32>
      %sub3A_87 = vector.broadcast %reduce_sum3A_77 : f32 to vector<8x1024xf32>
      %sub3A_88 = arith.subf %get3A_17, %sub3A_87 : vector<8x1024xf32>
      %integer_pow3A_89 = arith.mulf %sub3A_88, %sub3A_88 : vector<8x1024xf32>
      %add3A_90 = arith.addf %integer_pow3A, %integer_pow3A_89 : vector<8x1024xf32>
      %sub3A_91 = vector.broadcast %reduce_sum3A_85 : f32 to vector<8x1024xf32>
      %sub3A_92 = arith.subf %get3A_20, %sub3A_91 : vector<8x1024xf32>
      %integer_pow3A_93 = arith.mulf %sub3A_92, %sub3A_92 : vector<8x1024xf32>
      %add3A_94 = arith.addf %add3A_90, %integer_pow3A_93 : vector<8x1024xf32>
      %get3A_95 = arith.constant 0 : index
      %get3A_96 = arith.constant 0 : index
      %get3A_97 = vector.load %arg3[%get3A_95, %get3A_96] : memref<32x1024xf32, #tpu.memory_space<vmem>>, vector<8x1024xf32>
      %min3A = arith.minimumf %get3A_97, %add3A_94 : vector<8x1024xf32>
      %swap3A_98 = arith.constant 0 : index
      %swap3A_99 = arith.constant 0 : index
      %swap3A_100 = vector.load %arg3[%swap3A_98, %swap3A_99] : memref<32x1024xf32, #tpu.memory_space<vmem>>, vector<8x1024xf32>
      tpu.vector_store %arg3[%swap3A_98, %swap3A_99], %min3A {strides = array<i32>} : memref<32x1024xf32, #tpu.memory_space<vmem>>, vector<8x1024xf32>,
      %eq3A_101 = arith.constant 0 : i32
      %eq3A_102 = vector.broadcast %eq3A_101 : i32 to vector<8x1xi32>
      %eq3A_103 = arith.cmpi eq, %iota3A_4, %eq3A_102 : vector<8x1xi32>
      %eq3A_104 = arith.constant 1 : i32
      %eq3A_105 = vector.broadcast %eq3A_104 : i32 to vector<8x1xi32>
      %eq3A_106 = arith.cmpi eq, %iota3A_4, %eq3A_105 : vector<8x1xi32>
      %eq3A_107 = arith.constant 2 : i32
      %eq3A_108 = vector.broadcast %eq3A_107 : i32 to vector<8x1xi32>
      %eq3A_109 = arith.cmpi eq, %iota3A_4, %eq3A_108 : vector<8x1xi32>
      %jit3A_110 = arith.constant 0.000000e+00 : f32
      %broadcast_in_dim3A_111 = vector.broadcast %reduce_sum3A_85 : f32 to vector<8x1xf32>
      %broadcast_in_dim3A_112 = vector.broadcast %jit3A_110 : f32 to vector<8x1xf32>
      %select_n3A_113 = arith.select %eq3A_109, %broadcast_in_dim3A_111, %broadcast_in_dim3A_112 : vector<8x1xi1>, vector<8x1xf32>
      %broadcast_in_dim3A_114 = vector.broadcast %reduce_sum3A_77 : f32 to vector<8x1xf32>
      %select_n3A_115 = arith.select %eq3A_106, %broadcast_in_dim3A_114, %select_n3A_113 : vector<8x1xi1>, vector<8x1xf32>
      %broadcast_in_dim3A_116 = vector.broadcast %reduce_sum3A_69 : f32 to vector<8x1xf32>
      %select_n3A_117 = arith.select %eq3A_103, %broadcast_in_dim3A_116, %select_n3A_115 : vector<8x1xi1>, vector<8x1xf32>
      %get3A_118 = arith.constant 0 : index
      %get3A_119 = arith.constant 0 : index
      %get3A_120 = vector.load %arg2[%get3A_118, %get3A_119] : memref<32x1024xf32, #tpu.memory_space<vmem>>, vector<8x1024xf32>
      %broadcast_in_dim3A_121 = vector.shape_cast %eq3A_62 : vector<1x1024xi1> to vector<1x1024xi1>
      %broadcast_in_dim3A_122 = vector.broadcast %broadcast_in_dim3A_121 : vector<1x1024xi1> to vector<8x1024xi1>
      %broadcast_in_dim3A_123 = vector.shape_cast %select_n3A_117 : vector<8x1xf32> to vector<8x1xf32>
      %broadcast_in_dim3A_124 = vector.broadcast %broadcast_in_dim3A_123 : vector<8x1xf32> to vector<8x1024xf32>
      %select_n3A_125 = arith.select %broadcast_in_dim3A_122, %broadcast_in_dim3A_124, %get3A_120 : vector<8x1024xi1>, vector<8x1024xf32>
      %swap3A_126 = arith.constant 0 : index
      %swap3A_127 = arith.constant 0 : index
      %swap3A_128 = vector.load %arg2[%swap3A_126, %swap3A_127] : memref<32x1024xf32, #tpu.memory_space<vmem>>, vector<8x1024xf32>
      tpu.vector_store %arg2[%swap3A_126, %swap3A_127], %select_n3A_125 {strides = array<i32>} : memref<32x1024xf32, #tpu.memory_space<vmem>>, vector<8x1024xf32>,
      %reduce_max3A = vector.shape_cast %min3A : vector<8x1024xf32> to vector<1x8x1024xf32>
      %reduce_max3A_129 = arith.constant dense<0xFF800000> : vector<1xf32>
      %reduce_max3A_130 = vector.multi_reduction <maximumf>, %reduce_max3A, %reduce_max3A_129 [1, 2] : vector<1x8x1024xf32> to vector<1xf32>
      %reduce_max3A_131 = vector.shape_cast %reduce_max3A_130 : vector<1xf32> to vector<1x1x1xf32>
      %reduce_max3A_132 = vector.extract %reduce_max3A_131[0, 0, 0] : f32 from vector<1x1x1xf32>
      %eq3A_133 = vector.broadcast %reduce_max3A_132 : f32 to vector<8x1024xf32>
      %eq3A_134 = arith.cmpf oeq, %min3A, %eq3A_133 : vector<8x1024xf32>
      %jit3A_135 = arith.constant 8192 : i32
      %broadcast_in_dim3A_136 = vector.broadcast %jit3A_135 : i32 to vector<8x1024xi32>
      %select_n3A_137 = arith.select %eq3A_134, %add3A, %broadcast_in_dim3A_136 : vector<8x1024xi1>, vector<8x1024xi32>
      %reduce_min3A = vector.shape_cast %select_n3A_137 : vector<8x1024xi32> to vector<1x8x1024xi32>
      %reduce_min3A_138 = arith.constant dense<2147483647> : vector<1xi32>
      %reduce_min3A_139 = vector.multi_reduction <minsi>, %reduce_min3A, %reduce_min3A_138 [1, 2] : vector<1x8x1024xi32> to vector<1xi32>
      %reduce_min3A_140 = vector.shape_cast %reduce_min3A_139 : vector<1xi32> to vector<1x1x1xi32>
      %reduce_min3A_141 = vector.extract %reduce_min3A_140[0, 0, 0] : i32 from vector<1x1x1xi32>
      %eq3A_142 = vector.broadcast %scan3A_59 : i32 to vector<8x1024xi32>
      %eq3A_143 = arith.cmpi eq, %add3A, %eq3A_142 : vector<8x1024xi32>
      %jit3A_144 = arith.constant 0.000000e+00 : f32
      %broadcast_in_dim3A_145 = vector.broadcast %jit3A_144 : f32 to vector<8x1024xf32>
      %select_n3A_146 = arith.select %eq3A_143, %get3A_23, %broadcast_in_dim3A_145 : vector<8x1024xi1>, vector<8x1024xf32>
      %reduce_sum3A_147 = vector.shape_cast %select_n3A_146 : vector<8x1024xf32> to vector<1x8x1024xf32>
      %reduce_sum3A_148 = arith.constant dense<0.000000e+00> : vector<1xf32>
      %reduce_sum3A_149 = vector.multi_reduction <add>, %reduce_sum3A_147, %reduce_sum3A_148 [1, 2] : vector<1x8x1024xf32> to vector<1xf32>
      %reduce_sum3A_150 = vector.shape_cast %reduce_sum3A_149 : vector<1xf32> to vector<1x1x1xf32>
      %reduce_sum3A_151 = vector.extract %reduce_sum3A_150[0, 0, 0] : f32 from vector<1x1x1xf32>
      %jit3A_152 = arith.constant 0.000000e+00 : f32
      %broadcast_in_dim3A_153 = vector.broadcast %jit3A_152 : f32 to vector<8x1024xf32>
      %select_n3A_154 = arith.select %eq3A_143, %get3A_26, %broadcast_in_dim3A_153 : vector<8x1024xi1>, vector<8x1024xf32>
      %reduce_sum3A_155 = vector.shape_cast %select_n3A_154 : vector<8x1024xf32> to vector<1x8x1024xf32>
      %reduce_sum3A_156 = arith.constant dense<0.000000e+00> : vector<1xf32>
      %reduce_sum3A_157 = vector.multi_reduction <add>, %reduce_sum3A_155, %reduce_sum3A_156 [1, 2] : vector<1x8x1024xf32> to vector<1xf32>
      %reduce_sum3A_158 = vector.shape_cast %reduce_sum3A_157 : vector<1xf32> to vector<1x1x1xf32>
      %reduce_sum3A_159 = vector.extract %reduce_sum3A_158[0, 0, 0] : f32 from vector<1x1x1xf32>
      %jit3A_160 = arith.constant 0.000000e+00 : f32
      %broadcast_in_dim3A_161 = vector.broadcast %jit3A_160 : f32 to vector<8x1024xf32>
      %select_n3A_162 = arith.select %eq3A_143, %get3A_29, %broadcast_in_dim3A_161 : vector<8x1024xi1>, vector<8x1024xf32>
      %reduce_sum3A_163 = vector.shape_cast %select_n3A_162 : vector<8x1024xf32> to vector<1x8x1024xf32>
      %reduce_sum3A_164 = arith.constant dense<0.000000e+00> : vector<1xf32>
      %reduce_sum3A_165 = vector.multi_reduction <add>, %reduce_sum3A_163, %reduce_sum3A_164 [1, 2] : vector<1x8x1024xf32> to vector<1xf32>
      %reduce_sum3A_166 = vector.shape_cast %reduce_sum3A_165 : vector<1xf32> to vector<1x1x1xf32>
      %reduce_sum3A_167 = vector.extract %reduce_sum3A_166[0, 0, 0] : f32 from vector<1x1x1xf32>
      %sub3A_168 = vector.broadcast %reduce_sum3A_151 : f32 to vector<8x1024xf32>
      %sub3A_169 = arith.subf %get3A_23, %sub3A_168 : vector<8x1024xf32>
      %integer_pow3A_170 = arith.mulf %sub3A_169, %sub3A_169 : vector<8x1024xf32>
      %sub3A_171 = vector.broadcast %reduce_sum3A_159 : f32 to vector<8x1024xf32>
      %sub3A_172 = arith.subf %get3A_26, %sub3A_171 : vector<8x1024xf32>
      %integer_pow3A_173 = arith.mulf %sub3A_172, %sub3A_172 : vector<8x1024xf32>
      %add3A_174 = arith.addf %integer_pow3A_170, %integer_pow3A_173 : vector<8x1024xf32>
      %sub3A_175 = vector.broadcast %reduce_sum3A_167 : f32 to vector<8x1024xf32>
      %sub3A_176 = arith.subf %get3A_29, %sub3A_175 : vector<8x1024xf32>
      %integer_pow3A_177 = arith.mulf %sub3A_176, %sub3A_176 : vector<8x1024xf32>
      %add3A_178 = arith.addf %add3A_174, %integer_pow3A_177 : vector<8x1024xf32>
      %get3A_179 = arith.constant 8 : index
      %get3A_180 = arith.constant 0 : index
      %get3A_181 = vector.load %arg3[%get3A_179, %get3A_180] : memref<32x1024xf32, #tpu.memory_space<vmem>>, vector<8x1024xf32>
      %min3A_182 = arith.minimumf %get3A_181, %add3A_178 : vector<8x1024xf32>
      %swap3A_183 = arith.constant 8 : index
      %swap3A_184 = arith.constant 0 : index
      %swap3A_185 = vector.load %arg3[%swap3A_183, %swap3A_184] : memref<32x1024xf32, #tpu.memory_space<vmem>>, vector<8x1024xf32>
      tpu.vector_store %arg3[%swap3A_183, %swap3A_184], %min3A_182 {strides = array<i32>} : memref<32x1024xf32, #tpu.memory_space<vmem>>, vector<8x1024xf32>,
      %eq3A_186 = arith.constant 0 : i32
      %eq3A_187 = vector.broadcast %eq3A_186 : i32 to vector<8x1xi32>
      %eq3A_188 = arith.cmpi eq, %iota3A_4, %eq3A_187 : vector<8x1xi32>
      %eq3A_189 = arith.constant 1 : i32
      %eq3A_190 = vector.broadcast %eq3A_189 : i32 to vector<8x1xi32>
      %eq3A_191 = arith.cmpi eq, %iota3A_4, %eq3A_190 : vector<8x1xi32>
      %eq3A_192 = arith.constant 2 : i32
      %eq3A_193 = vector.broadcast %eq3A_192 : i32 to vector<8x1xi32>
      %eq3A_194 = arith.cmpi eq, %iota3A_4, %eq3A_193 : vector<8x1xi32>
      %jit3A_195 = arith.constant 0.000000e+00 : f32
      %broadcast_in_dim3A_196 = vector.broadcast %reduce_sum3A_167 : f32 to vector<8x1xf32>
      %broadcast_in_dim3A_197 = vector.broadcast %jit3A_195 : f32 to vector<8x1xf32>
      %select_n3A_198 = arith.select %eq3A_194, %broadcast_in_dim3A_196, %broadcast_in_dim3A_197 : vector<8x1xi1>, vector<8x1xf32>
      %broadcast_in_dim3A_199 = vector.broadcast %reduce_sum3A_159 : f32 to vector<8x1xf32>
      %select_n3A_200 = arith.select %eq3A_191, %broadcast_in_dim3A_199, %select_n3A_198 : vector<8x1xi1>, vector<8x1xf32>
      %broadcast_in_dim3A_201 = vector.broadcast %reduce_sum3A_151 : f32 to vector<8x1xf32>
      %select_n3A_202 = arith.select %eq3A_188, %broadcast_in_dim3A_201, %select_n3A_200 : vector<8x1xi1>, vector<8x1xf32>
      %get3A_203 = arith.constant 8 : index
      %get3A_204 = arith.constant 0 : index
      %get3A_205 = vector.load %arg2[%get3A_203, %get3A_204] : memref<32x1024xf32, #tpu.memory_space<vmem>>, vector<8x1024xf32>
      %broadcast_in_dim3A_206 = vector.shape_cast %eq3A_62 : vector<1x1024xi1> to vector<1x1024xi1>
      %broadcast_in_dim3A_207 = vector.broadcast %broadcast_in_dim3A_206 : vector<1x1024xi1> to vector<8x1024xi1>
      %broadcast_in_dim3A_208 = vector.shape_cast %select_n3A_202 : vector<8x1xf32> to vector<8x1xf32>
      %broadcast_in_dim3A_209 = vector.broadcast %broadcast_in_dim3A_208 : vector<8x1xf32> to vector<8x1024xf32>
      %select_n3A_210 = arith.select %broadcast_in_dim3A_207, %broadcast_in_dim3A_209, %get3A_205 : vector<8x1024xi1>, vector<8x1024xf32>
      %swap3A_211 = arith.constant 8 : index
      %swap3A_212 = arith.constant 0 : index
      %swap3A_213 = vector.load %arg2[%swap3A_211, %swap3A_212] : memref<32x1024xf32, #tpu.memory_space<vmem>>, vector<8x1024xf32>
      tpu.vector_store %arg2[%swap3A_211, %swap3A_212], %select_n3A_210 {strides = array<i32>} : memref<32x1024xf32, #tpu.memory_space<vmem>>, vector<8x1024xf32>,
      %reduce_max3A_214 = vector.shape_cast %min3A_182 : vector<8x1024xf32> to vector<1x8x1024xf32>
      %reduce_max3A_215 = arith.constant dense<0xFF800000> : vector<1xf32>
      %reduce_max3A_216 = vector.multi_reduction <maximumf>, %reduce_max3A_214, %reduce_max3A_215 [1, 2] : vector<1x8x1024xf32> to vector<1xf32>
      %reduce_max3A_217 = vector.shape_cast %reduce_max3A_216 : vector<1xf32> to vector<1x1x1xf32>
      %reduce_max3A_218 = vector.extract %reduce_max3A_217[0, 0, 0] : f32 from vector<1x1x1xf32>
      %eq3A_219 = vector.broadcast %reduce_max3A_218 : f32 to vector<8x1024xf32>
      %eq3A_220 = arith.cmpf oeq, %min3A_182, %eq3A_219 : vector<8x1024xf32>
      %jit3A_221 = arith.constant 8192 : i32
      %broadcast_in_dim3A_222 = vector.broadcast %jit3A_221 : i32 to vector<8x1024xi32>
      %select_n3A_223 = arith.select %eq3A_220, %add3A, %broadcast_in_dim3A_222 : vector<8x1024xi1>, vector<8x1024xi32>
      %reduce_min3A_224 = vector.shape_cast %select_n3A_223 : vector<8x1024xi32> to vector<1x8x1024xi32>
      %reduce_min3A_225 = arith.constant dense<2147483647> : vector<1xi32>
      %reduce_min3A_226 = vector.multi_reduction <minsi>, %reduce_min3A_224, %reduce_min3A_225 [1, 2] : vector<1x8x1024xi32> to vector<1xi32>
      %reduce_min3A_227 = vector.shape_cast %reduce_min3A_226 : vector<1xi32> to vector<1x1x1xi32>
      %reduce_min3A_228 = vector.extract %reduce_min3A_227[0, 0, 0] : i32 from vector<1x1x1xi32>
      %eq3A_229 = vector.broadcast %scan3A_60 : i32 to vector<8x1024xi32>
      %eq3A_230 = arith.cmpi eq, %add3A, %eq3A_229 : vector<8x1024xi32>
      %jit3A_231 = arith.constant 0.000000e+00 : f32
      %broadcast_in_dim3A_232 = vector.broadcast %jit3A_231 : f32 to vector<8x1024xf32>
      %select_n3A_233 = arith.select %eq3A_230, %get3A_32, %broadcast_in_dim3A_232 : vector<8x1024xi1>, vector<8x1024xf32>
      %reduce_sum3A_234 = vector.shape_cast %select_n3A_233 : vector<8x1024xf32> to vector<1x8x1024xf32>
      %reduce_sum3A_235 = arith.constant dense<0.000000e+00> : vector<1xf32>
      %reduce_sum3A_236 = vector.multi_reduction <add>, %reduce_sum3A_234, %reduce_sum3A_235 [1, 2] : vector<1x8x1024xf32> to vector<1xf32>
      %reduce_sum3A_237 = vector.shape_cast %reduce_sum3A_236 : vector<1xf32> to vector<1x1x1xf32>
      %reduce_sum3A_238 = vector.extract %reduce_sum3A_237[0, 0, 0] : f32 from vector<1x1x1xf32>
      %jit3A_239 = arith.constant 0.000000e+00 : f32
      %broadcast_in_dim3A_240 = vector.broadcast %jit3A_239 : f32 to vector<8x1024xf32>
      %select_n3A_241 = arith.select %eq3A_230, %get3A_35, %broadcast_in_dim3A_240 : vector<8x1024xi1>, vector<8x1024xf32>
      %reduce_sum3A_242 = vector.shape_cast %select_n3A_241 : vector<8x1024xf32> to vector<1x8x1024xf32>
      %reduce_sum3A_243 = arith.constant dense<0.000000e+00> : vector<1xf32>
      %reduce_sum3A_244 = vector.multi_reduction <add>, %reduce_sum3A_242, %reduce_sum3A_243 [1, 2] : vector<1x8x1024xf32> to vector<1xf32>
      %reduce_sum3A_245 = vector.shape_cast %reduce_sum3A_244 : vector<1xf32> to vector<1x1x1xf32>
      %reduce_sum3A_246 = vector.extract %reduce_sum3A_245[0, 0, 0] : f32 from vector<1x1x1xf32>
      %jit3A_247 = arith.constant 0.000000e+00 : f32
      %broadcast_in_dim3A_248 = vector.broadcast %jit3A_247 : f32 to vector<8x1024xf32>
      %select_n3A_249 = arith.select %eq3A_230, %get3A_38, %broadcast_in_dim3A_248 : vector<8x1024xi1>, vector<8x1024xf32>
      %reduce_sum3A_250 = vector.shape_cast %select_n3A_249 : vector<8x1024xf32> to vector<1x8x1024xf32>
      %reduce_sum3A_251 = arith.constant dense<0.000000e+00> : vector<1xf32>
      %reduce_sum3A_252 = vector.multi_reduction <add>, %reduce_sum3A_250, %reduce_sum3A_251 [1, 2] : vector<1x8x1024xf32> to vector<1xf32>
      %reduce_sum3A_253 = vector.shape_cast %reduce_sum3A_252 : vector<1xf32> to vector<1x1x1xf32>
      %reduce_sum3A_254 = vector.extract %reduce_sum3A_253[0, 0, 0] : f32 from vector<1x1x1xf32>
      %sub3A_255 = vector.broadcast %reduce_sum3A_238 : f32 to vector<8x1024xf32>
      %sub3A_256 = arith.subf %get3A_32, %sub3A_255 : vector<8x1024xf32>
      %integer_pow3A_257 = arith.mulf %sub3A_256, %sub3A_256 : vector<8x1024xf32>
      %sub3A_258 = vector.broadcast %reduce_sum3A_246 : f32 to vector<8x1024xf32>
      %sub3A_259 = arith.subf %get3A_35, %sub3A_258 : vector<8x1024xf32>
      %integer_pow3A_260 = arith.mulf %sub3A_259, %sub3A_259 : vector<8x1024xf32>
      %add3A_261 = arith.addf %integer_pow3A_257, %integer_pow3A_260 : vector<8x1024xf32>
      %sub3A_262 = vector.broadcast %reduce_sum3A_254 : f32 to vector<8x1024xf32>
      %sub3A_263 = arith.subf %get3A_38, %sub3A_262 : vector<8x1024xf32>
      %integer_pow3A_264 = arith.mulf %sub3A_263, %sub3A_263 : vector<8x1024xf32>
      %add3A_265 = arith.addf %add3A_261, %integer_pow3A_264 : vector<8x1024xf32>
      %get3A_266 = arith.constant 16 : index
      %get3A_267 = arith.constant 0 : index
      %get3A_268 = vector.load %arg3[%get3A_266, %get3A_267] : memref<32x1024xf32, #tpu.memory_space<vmem>>, vector<8x1024xf32>
      %min3A_269 = arith.minimumf %get3A_268, %add3A_265 : vector<8x1024xf32>
      %swap3A_270 = arith.constant 16 : index
      %swap3A_271 = arith.constant 0 : index
      %swap3A_272 = vector.load %arg3[%swap3A_270, %swap3A_271] : memref<32x1024xf32, #tpu.memory_space<vmem>>, vector<8x1024xf32>
      tpu.vector_store %arg3[%swap3A_270, %swap3A_271], %min3A_269 {strides = array<i32>} : memref<32x1024xf32, #tpu.memory_space<vmem>>, vector<8x1024xf32>,
      %eq3A_273 = arith.constant 0 : i32
      %eq3A_274 = vector.broadcast %eq3A_273 : i32 to vector<8x1xi32>
      %eq3A_275 = arith.cmpi eq, %iota3A_4, %eq3A_274 : vector<8x1xi32>
      %eq3A_276 = arith.constant 1 : i32
      %eq3A_277 = vector.broadcast %eq3A_276 : i32 to vector<8x1xi32>
      %eq3A_278 = arith.cmpi eq, %iota3A_4, %eq3A_277 : vector<8x1xi32>
      %eq3A_279 = arith.constant 2 : i32
      %eq3A_280 = vector.broadcast %eq3A_279 : i32 to vector<8x1xi32>
      %eq3A_281 = arith.cmpi eq, %iota3A_4, %eq3A_280 : vector<8x1xi32>
      %jit3A_282 = arith.constant 0.000000e+00 : f32
      %broadcast_in_dim3A_283 = vector.broadcast %reduce_sum3A_254 : f32 to vector<8x1xf32>
      %broadcast_in_dim3A_284 = vector.broadcast %jit3A_282 : f32 to vector<8x1xf32>
      %select_n3A_285 = arith.select %eq3A_281, %broadcast_in_dim3A_283, %broadcast_in_dim3A_284 : vector<8x1xi1>, vector<8x1xf32>
      %broadcast_in_dim3A_286 = vector.broadcast %reduce_sum3A_246 : f32 to vector<8x1xf32>
      %select_n3A_287 = arith.select %eq3A_278, %broadcast_in_dim3A_286, %select_n3A_285 : vector<8x1xi1>, vector<8x1xf32>
      %broadcast_in_dim3A_288 = vector.broadcast %reduce_sum3A_238 : f32 to vector<8x1xf32>
      %select_n3A_289 = arith.select %eq3A_275, %broadcast_in_dim3A_288, %select_n3A_287 : vector<8x1xi1>, vector<8x1xf32>
      %get3A_290 = arith.constant 16 : index
      %get3A_291 = arith.constant 0 : index
      %get3A_292 = vector.load %arg2[%get3A_290, %get3A_291] : memref<32x1024xf32, #tpu.memory_space<vmem>>, vector<8x1024xf32>
      %broadcast_in_dim3A_293 = vector.shape_cast %eq3A_62 : vector<1x1024xi1> to vector<1x1024xi1>
      %broadcast_in_dim3A_294 = vector.broadcast %broadcast_in_dim3A_293 : vector<1x1024xi1> to vector<8x1024xi1>
      %broadcast_in_dim3A_295 = vector.shape_cast %select_n3A_289 : vector<8x1xf32> to vector<8x1xf32>
      %broadcast_in_dim3A_296 = vector.broadcast %broadcast_in_dim3A_295 : vector<8x1xf32> to vector<8x1024xf32>
      %select_n3A_297 = arith.select %broadcast_in_dim3A_294, %broadcast_in_dim3A_296, %get3A_292 : vector<8x1024xi1>, vector<8x1024xf32>
      %swap3A_298 = arith.constant 16 : index
      %swap3A_299 = arith.constant 0 : index
      %swap3A_300 = vector.load %arg2[%swap3A_298, %swap3A_299] : memref<32x1024xf32, #tpu.memory_space<vmem>>, vector<8x1024xf32>
      tpu.vector_store %arg2[%swap3A_298, %swap3A_299], %select_n3A_297 {strides = array<i32>} : memref<32x1024xf32, #tpu.memory_space<vmem>>, vector<8x1024xf32>,
      %reduce_max3A_301 = vector.shape_cast %min3A_269 : vector<8x1024xf32> to vector<1x8x1024xf32>
      %reduce_max3A_302 = arith.constant dense<0xFF800000> : vector<1xf32>
      %reduce_max3A_303 = vector.multi_reduction <maximumf>, %reduce_max3A_301, %reduce_max3A_302 [1, 2] : vector<1x8x1024xf32> to vector<1xf32>
      %reduce_max3A_304 = vector.shape_cast %reduce_max3A_303 : vector<1xf32> to vector<1x1x1xf32>
      %reduce_max3A_305 = vector.extract %reduce_max3A_304[0, 0, 0] : f32 from vector<1x1x1xf32>
      %eq3A_306 = vector.broadcast %reduce_max3A_305 : f32 to vector<8x1024xf32>
      %eq3A_307 = arith.cmpf oeq, %min3A_269, %eq3A_306 : vector<8x1024xf32>
      %jit3A_308 = arith.constant 8192 : i32
      %broadcast_in_dim3A_309 = vector.broadcast %jit3A_308 : i32 to vector<8x1024xi32>
      %select_n3A_310 = arith.select %eq3A_307, %add3A, %broadcast_in_dim3A_309 : vector<8x1024xi1>, vector<8x1024xi32>
      %reduce_min3A_311 = vector.shape_cast %select_n3A_310 : vector<8x1024xi32> to vector<1x8x1024xi32>
      %reduce_min3A_312 = arith.constant dense<2147483647> : vector<1xi32>
      %reduce_min3A_313 = vector.multi_reduction <minsi>, %reduce_min3A_311, %reduce_min3A_312 [1, 2] : vector<1x8x1024xi32> to vector<1xi32>
      %reduce_min3A_314 = vector.shape_cast %reduce_min3A_313 : vector<1xi32> to vector<1x1x1xi32>
      %reduce_min3A_315 = vector.extract %reduce_min3A_314[0, 0, 0] : i32 from vector<1x1x1xi32>
      %eq3A_316 = vector.broadcast %scan3A_61 : i32 to vector<8x1024xi32>
      %eq3A_317 = arith.cmpi eq, %add3A, %eq3A_316 : vector<8x1024xi32>
      %jit3A_318 = arith.constant 0.000000e+00 : f32
      %broadcast_in_dim3A_319 = vector.broadcast %jit3A_318 : f32 to vector<8x1024xf32>
      %select_n3A_320 = arith.select %eq3A_317, %get3A_41, %broadcast_in_dim3A_319 : vector<8x1024xi1>, vector<8x1024xf32>
      %reduce_sum3A_321 = vector.shape_cast %select_n3A_320 : vector<8x1024xf32> to vector<1x8x1024xf32>
      %reduce_sum3A_322 = arith.constant dense<0.000000e+00> : vector<1xf32>
      %reduce_sum3A_323 = vector.multi_reduction <add>, %reduce_sum3A_321, %reduce_sum3A_322 [1, 2] : vector<1x8x1024xf32> to vector<1xf32>
      %reduce_sum3A_324 = vector.shape_cast %reduce_sum3A_323 : vector<1xf32> to vector<1x1x1xf32>
      %reduce_sum3A_325 = vector.extract %reduce_sum3A_324[0, 0, 0] : f32 from vector<1x1x1xf32>
      %jit3A_326 = arith.constant 0.000000e+00 : f32
      %broadcast_in_dim3A_327 = vector.broadcast %jit3A_326 : f32 to vector<8x1024xf32>
      %select_n3A_328 = arith.select %eq3A_317, %get3A_44, %broadcast_in_dim3A_327 : vector<8x1024xi1>, vector<8x1024xf32>
      %reduce_sum3A_329 = vector.shape_cast %select_n3A_328 : vector<8x1024xf32> to vector<1x8x1024xf32>
      %reduce_sum3A_330 = arith.constant dense<0.000000e+00> : vector<1xf32>
      %reduce_sum3A_331 = vector.multi_reduction <add>, %reduce_sum3A_329, %reduce_sum3A_330 [1, 2] : vector<1x8x1024xf32> to vector<1xf32>
      %reduce_sum3A_332 = vector.shape_cast %reduce_sum3A_331 : vector<1xf32> to vector<1x1x1xf32>
      %reduce_sum3A_333 = vector.extract %reduce_sum3A_332[0, 0, 0] : f32 from vector<1x1x1xf32>
      %jit3A_334 = arith.constant 0.000000e+00 : f32
      %broadcast_in_dim3A_335 = vector.broadcast %jit3A_334 : f32 to vector<8x1024xf32>
      %select_n3A_336 = arith.select %eq3A_317, %get3A_47, %broadcast_in_dim3A_335 : vector<8x1024xi1>, vector<8x1024xf32>
      %reduce_sum3A_337 = vector.shape_cast %select_n3A_336 : vector<8x1024xf32> to vector<1x8x1024xf32>
      %reduce_sum3A_338 = arith.constant dense<0.000000e+00> : vector<1xf32>
      %reduce_sum3A_339 = vector.multi_reduction <add>, %reduce_sum3A_337, %reduce_sum3A_338 [1, 2] : vector<1x8x1024xf32> to vector<1xf32>
      %reduce_sum3A_340 = vector.shape_cast %reduce_sum3A_339 : vector<1xf32> to vector<1x1x1xf32>
      %reduce_sum3A_341 = vector.extract %reduce_sum3A_340[0, 0, 0] : f32 from vector<1x1x1xf32>
      %sub3A_342 = vector.broadcast %reduce_sum3A_325 : f32 to vector<8x1024xf32>
      %sub3A_343 = arith.subf %get3A_41, %sub3A_342 : vector<8x1024xf32>
      %integer_pow3A_344 = arith.mulf %sub3A_343, %sub3A_343 : vector<8x1024xf32>
      %sub3A_345 = vector.broadcast %reduce_sum3A_333 : f32 to vector<8x1024xf32>
      %sub3A_346 = arith.subf %get3A_44, %sub3A_345 : vector<8x1024xf32>
      %integer_pow3A_347 = arith.mulf %sub3A_346, %sub3A_346 : vector<8x1024xf32>
      %add3A_348 = arith.addf %integer_pow3A_344, %integer_pow3A_347 : vector<8x1024xf32>
      %sub3A_349 = vector.broadcast %reduce_sum3A_341 : f32 to vector<8x1024xf32>
      %sub3A_350 = arith.subf %get3A_47, %sub3A_349 : vector<8x1024xf32>
      %integer_pow3A_351 = arith.mulf %sub3A_350, %sub3A_350 : vector<8x1024xf32>
      %add3A_352 = arith.addf %add3A_348, %integer_pow3A_351 : vector<8x1024xf32>
      %get3A_353 = arith.constant 24 : index
      %get3A_354 = arith.constant 0 : index
      %get3A_355 = vector.load %arg3[%get3A_353, %get3A_354] : memref<32x1024xf32, #tpu.memory_space<vmem>>, vector<8x1024xf32>
      %min3A_356 = arith.minimumf %get3A_355, %add3A_352 : vector<8x1024xf32>
      %swap3A_357 = arith.constant 24 : index
      %swap3A_358 = arith.constant 0 : index
      %swap3A_359 = vector.load %arg3[%swap3A_357, %swap3A_358] : memref<32x1024xf32, #tpu.memory_space<vmem>>, vector<8x1024xf32>
      tpu.vector_store %arg3[%swap3A_357, %swap3A_358], %min3A_356 {strides = array<i32>} : memref<32x1024xf32, #tpu.memory_space<vmem>>, vector<8x1024xf32>,
      %eq3A_360 = arith.constant 0 : i32
      %eq3A_361 = vector.broadcast %eq3A_360 : i32 to vector<8x1xi32>
      %eq3A_362 = arith.cmpi eq, %iota3A_4, %eq3A_361 : vector<8x1xi32>
      %eq3A_363 = arith.constant 1 : i32
      %eq3A_364 = vector.broadcast %eq3A_363 : i32 to vector<8x1xi32>
      %eq3A_365 = arith.cmpi eq, %iota3A_4, %eq3A_364 : vector<8x1xi32>
      %eq3A_366 = arith.constant 2 : i32
      %eq3A_367 = vector.broadcast %eq3A_366 : i32 to vector<8x1xi32>
      %eq3A_368 = arith.cmpi eq, %iota3A_4, %eq3A_367 : vector<8x1xi32>
      %jit3A_369 = arith.constant 0.000000e+00 : f32
      %broadcast_in_dim3A_370 = vector.broadcast %reduce_sum3A_341 : f32 to vector<8x1xf32>
      %broadcast_in_dim3A_371 = vector.broadcast %jit3A_369 : f32 to vector<8x1xf32>
      %select_n3A_372 = arith.select %eq3A_368, %broadcast_in_dim3A_370, %broadcast_in_dim3A_371 : vector<8x1xi1>, vector<8x1xf32>
      %broadcast_in_dim3A_373 = vector.broadcast %reduce_sum3A_333 : f32 to vector<8x1xf32>
      %select_n3A_374 = arith.select %eq3A_365, %broadcast_in_dim3A_373, %select_n3A_372 : vector<8x1xi1>, vector<8x1xf32>
      %broadcast_in_dim3A_375 = vector.broadcast %reduce_sum3A_325 : f32 to vector<8x1xf32>
      %select_n3A_376 = arith.select %eq3A_362, %broadcast_in_dim3A_375, %select_n3A_374 : vector<8x1xi1>, vector<8x1xf32>
      %get3A_377 = arith.constant 24 : index
      %get3A_378 = arith.constant 0 : index
      %get3A_379 = vector.load %arg2[%get3A_377, %get3A_378] : memref<32x1024xf32, #tpu.memory_space<vmem>>, vector<8x1024xf32>
      %broadcast_in_dim3A_380 = vector.shape_cast %eq3A_62 : vector<1x1024xi1> to vector<1x1024xi1>
      %broadcast_in_dim3A_381 = vector.broadcast %broadcast_in_dim3A_380 : vector<1x1024xi1> to vector<8x1024xi1>
      %broadcast_in_dim3A_382 = vector.shape_cast %select_n3A_376 : vector<8x1xf32> to vector<8x1xf32>
      %broadcast_in_dim3A_383 = vector.broadcast %broadcast_in_dim3A_382 : vector<8x1xf32> to vector<8x1024xf32>
      %select_n3A_384 = arith.select %broadcast_in_dim3A_381, %broadcast_in_dim3A_383, %get3A_379 : vector<8x1024xi1>, vector<8x1024xf32>
      %swap3A_385 = arith.constant 24 : index
      %swap3A_386 = arith.constant 0 : index
      %swap3A_387 = vector.load %arg2[%swap3A_385, %swap3A_386] : memref<32x1024xf32, #tpu.memory_space<vmem>>, vector<8x1024xf32>
      tpu.vector_store %arg2[%swap3A_385, %swap3A_386], %select_n3A_384 {strides = array<i32>} : memref<32x1024xf32, #tpu.memory_space<vmem>>, vector<8x1024xf32>,
      %reduce_max3A_388 = vector.shape_cast %min3A_356 : vector<8x1024xf32> to vector<1x8x1024xf32>
      %reduce_max3A_389 = arith.constant dense<0xFF800000> : vector<1xf32>
      %reduce_max3A_390 = vector.multi_reduction <maximumf>, %reduce_max3A_388, %reduce_max3A_389 [1, 2] : vector<1x8x1024xf32> to vector<1xf32>
      %reduce_max3A_391 = vector.shape_cast %reduce_max3A_390 : vector<1xf32> to vector<1x1x1xf32>
      %reduce_max3A_392 = vector.extract %reduce_max3A_391[0, 0, 0] : f32 from vector<1x1x1xf32>
      %eq3A_393 = vector.broadcast %reduce_max3A_392 : f32 to vector<8x1024xf32>
      %eq3A_394 = arith.cmpf oeq, %min3A_356, %eq3A_393 : vector<8x1024xf32>
      %jit3A_395 = arith.constant 8192 : i32
      %broadcast_in_dim3A_396 = vector.broadcast %jit3A_395 : i32 to vector<8x1024xi32>
      %select_n3A_397 = arith.select %eq3A_394, %add3A, %broadcast_in_dim3A_396 : vector<8x1024xi1>, vector<8x1024xi32>
      %reduce_min3A_398 = vector.shape_cast %select_n3A_397 : vector<8x1024xi32> to vector<1x8x1024xi32>
      %reduce_min3A_399 = arith.constant dense<2147483647> : vector<1xi32>
      %reduce_min3A_400 = vector.multi_reduction <minsi>, %reduce_min3A_398, %reduce_min3A_399 [1, 2] : vector<1x8x1024xi32> to vector<1xi32>
      %reduce_min3A_401 = vector.shape_cast %reduce_min3A_400 : vector<1xi32> to vector<1x1x1xi32>
      %reduce_min3A_402 = vector.extract %reduce_min3A_401[0, 0, 0] : i32 from vector<1x1x1xi32>
      scf.yield %reduce_min3A_141, %reduce_min3A_228, %reduce_min3A_315, %reduce_min3A_402 : i32, i32, i32, i32
    }
    %scan3A_56 = arith.constant 1024 : i32
    return
  }
  func.func @transform_0(%arg0: i32) -> (i32, i32) {
    %c0_i32 = arith.constant 0 : i32
    %c0_i32_0 = arith.constant 0 : i32
    %c0_i32_1 = arith.constant 0 : i32
    return %c0_i32, %c0_i32_0 : i32, i32
  }
  func.func @transform_1(%arg0: i32) -> (i32, i32) {
    %c0_i32 = arith.constant 0 : i32
    %c0_i32_0 = arith.constant 0 : i32
    %c0_i32_1 = arith.constant 0 : i32
    return %c0_i32, %c0_i32_0 : i32, i32
  }
}

module attributes {stable_mosaic.version = 14 : i64} {
  func.func @_bq_body(%arg0: i32, %arg1: memref<8x8192xf32, #tpu.memory_space<vmem>>, %arg2: memref<128x8xf32, #tpu.memory_space<vmem>>, %arg3: memref<128x32xi32, #tpu.memory_space<vmem>>) attributes {dimension_semantics = [#tpu.dimension_semantics<arbitrary>], iteration_bounds = array<i64: 32>, scalar_prefetch = 0 : i64, scratch_operands = 0 : i64, tpu.core_type = #tpu.core_type<tc>, window_params = [{transform_indices = @transform_0, window_bounds = array<i64: 8, 8192>}, {transform_indices = @transform_1, window_bounds = array<i64: 128, 8>}, {transform_indices = @transform_2, window_bounds = array<i64: 128, 32>}]} {
    %jit3A = arith.constant 8 : i32
    %div3A = arith.divsi %arg0, %jit3A : i32
    %sign3A = arith.constant 0 : i32
    %sign3A_0 = arith.cmpi sgt, %arg0, %sign3A : i32
    %sign3A_1 = arith.extui %sign3A_0 : i1 to i32
    %sign3A_2 = arith.constant 0 : i32
    %sign3A_3 = arith.cmpi slt, %arg0, %sign3A_2 : i32
    %sign3A_4 = arith.extui %sign3A_3 : i1 to i32
    %sign3A_5 = arith.subi %sign3A_1, %sign3A_4 : i32
    %sign3A_6 = arith.constant 0 : i32
    %sign3A_7 = arith.cmpi sgt, %jit3A, %sign3A_6 : i32
    %sign3A_8 = arith.extui %sign3A_7 : i1 to i32
    %sign3A_9 = arith.constant 0 : i32
    %sign3A_10 = arith.cmpi slt, %jit3A, %sign3A_9 : i32
    %sign3A_11 = arith.extui %sign3A_10 : i1 to i32
    %sign3A_12 = arith.subi %sign3A_8, %sign3A_11 : i32
    %ne3A = arith.cmpi ne, %sign3A_5, %sign3A_12 : i32
    %rem3A = arith.remsi %arg0, %jit3A : i32
    %ne3A_13 = arith.constant 0 : i32
    %ne3A_14 = arith.cmpi ne, %rem3A, %ne3A_13 : i32
    %and3A = arith.andi %ne3A, %ne3A_14 : i1
    %sub3A = arith.constant 1 : i32
    %sub3A_15 = arith.subi %div3A, %sub3A : i32
    %select_n3A = arith.select %and3A, %sub3A_15, %div3A : i32
    %get3A = arith.constant 0 : index
    %get3A_16 = arith.constant 0 : index
    %get3A_17 = vector.load %arg1[%get3A, %get3A_16] : memref<8x8192xf32, #tpu.memory_space<vmem>>, vector<8x8192xf32>
    %get3A_18 = arith.constant 0 : index
    %get3A_19 = arith.constant 0 : index
    %get3A_20 = vector.load %arg2[%get3A_18, %get3A_19] : memref<128x8xf32, #tpu.memory_space<vmem>>, vector<128x8xf32>
    %mul3A = arith.mulf %get3A_17, %get3A_17 : vector<8x8192xf32>
    %reduce_sum3A = arith.constant dense<0.000000e+00> : vector<8192xf32>
    %reduce_sum3A_21 = vector.multi_reduction <add>, %mul3A, %reduce_sum3A [0] : vector<8x8192xf32> to vector<8192xf32>
    %broadcast_in_dim3A = vector.shape_cast %reduce_sum3A_21 : vector<8192xf32> to vector<1x8192xf32>
    %mul3A_22 = arith.mulf %get3A_20, %get3A_20 : vector<128x8xf32>
    %reduce_sum3A_23 = arith.constant dense<0.000000e+00> : vector<128xf32>
    %reduce_sum3A_24 = vector.multi_reduction <add>, %mul3A_22, %reduce_sum3A_23 [1] : vector<128x8xf32> to vector<128xf32>
    %broadcast_in_dim3A_25 = vector.shape_cast %reduce_sum3A_24 : vector<128xf32> to vector<128x1xf32>
    %dot_general3A = arith.constant dense<0.000000e+00> : vector<128x8192xf32>
    %dot_general3A_26 = tpu.matmul %get3A_20, %get3A_17, %dot_general3A {dimension_numbers = #tpu.dot_dimension_numbers<[1], [0], [0], [1], [0, 0, 1, 1], [], []>, transpose_lhs_hint = false} : vector<128x8xf32>, vector<8x8192xf32>, vector<128x8192xf32> -> vector<128x8192xf32>
    %add3A = vector.broadcast %broadcast_in_dim3A_25 : vector<128x1xf32> to vector<128x8192xf32>
    %add3A_27 = vector.broadcast %broadcast_in_dim3A : vector<1x8192xf32> to vector<128x8192xf32>
    %add3A_28 = arith.addf %add3A, %add3A_27 : vector<128x8192xf32>
    %mul3A_29 = arith.constant 2.000000e+00 : f32
    %mul3A_30 = vector.broadcast %mul3A_29 : f32 to vector<128x8192xf32>
    %mul3A_31 = arith.mulf %mul3A_30, %dot_general3A_26 : vector<128x8192xf32>
    %sub3A_32 = arith.subf %add3A_28, %mul3A_31 : vector<128x8192xf32>
    %iota3A = tpu.iota {dimensions = array<i32: 1>} : vector<1x8192xi32>
    %le3A = arith.constant 1.600000e-01 : f32
    %le3A_33 = vector.broadcast %le3A : f32 to vector<128x8192xf32>
    %le3A_34 = arith.cmpf ole, %sub3A_32, %le3A_33 : vector<128x8192xf32>
    %jit3A_35 = arith.constant 8192 : i32
    %broadcast_in_dim3A_36 = vector.shape_cast %iota3A : vector<1x8192xi32> to vector<1x8192xi32>
    %broadcast_in_dim3A_37 = vector.broadcast %broadcast_in_dim3A_36 : vector<1x8192xi32> to vector<128x8192xi32>
    %broadcast_in_dim3A_38 = vector.broadcast %jit3A_35 : i32 to vector<128x8192xi32>
    %select_n3A_39 = arith.select %le3A_34, %broadcast_in_dim3A_37, %broadcast_in_dim3A_38 : vector<128x8192xi1>, vector<128x8192xi32>
    %iota3A_40 = tpu.iota {dimensions = array<i32: 1>} : vector<1x32xi32>
    %broadcast_in_dim3A_41 = arith.constant 0 : i32
    %broadcast_in_dim3A_42 = vector.broadcast %broadcast_in_dim3A_41 : i32 to vector<128x32xi32>
    %reduce_min3A = arith.constant dense<2147483647> : vector<128xi32>
    %reduce_min3A_43 = vector.multi_reduction <minsi>, %select_n3A_39, %reduce_min3A [1] : vector<128x8192xi32> to vector<128xi32>
    %broadcast_in_dim3A_44 = vector.shape_cast %reduce_min3A_43 : vector<128xi32> to vector<128x1xi32>
    %eq3A = arith.constant 0 : i32
    %eq3A_45 = vector.broadcast %eq3A : i32 to vector<1x32xi32>
    %eq3A_46 = arith.cmpi eq, %iota3A_40, %eq3A_45 : vector<1x32xi32>
    %broadcast_in_dim3A_47 = vector.shape_cast %eq3A_46 : vector<1x32xi1> to vector<1x32xi1>
    %broadcast_in_dim3A_48 = vector.broadcast %broadcast_in_dim3A_47 : vector<1x32xi1> to vector<128x32xi1>
    %broadcast_in_dim3A_49 = vector.shape_cast %broadcast_in_dim3A_44 : vector<128x1xi32> to vector<128x1xi32>
    %broadcast_in_dim3A_50 = vector.broadcast %broadcast_in_dim3A_49 : vector<128x1xi32> to vector<128x32xi32>
    %select_n3A_51 = arith.select %broadcast_in_dim3A_48, %broadcast_in_dim3A_50, %broadcast_in_dim3A_42 : vector<128x32xi1>, vector<128x32xi32>
    %eq3A_52 = vector.broadcast %broadcast_in_dim3A_44 : vector<128x1xi32> to vector<128x8192xi32>
    %eq3A_53 = arith.cmpi eq, %select_n3A_39, %eq3A_52 : vector<128x8192xi32>
    %jit3A_54 = arith.constant 8192 : i32
    %broadcast_in_dim3A_55 = vector.broadcast %jit3A_54 : i32 to vector<128x8192xi32>
    %select_n3A_56 = arith.select %eq3A_53, %broadcast_in_dim3A_55, %select_n3A_39 : vector<128x8192xi1>, vector<128x8192xi32>
    %reduce_min3A_57 = arith.constant dense<2147483647> : vector<128xi32>
    %reduce_min3A_58 = vector.multi_reduction <minsi>, %select_n3A_56, %reduce_min3A_57 [1] : vector<128x8192xi32> to vector<128xi32>
    %broadcast_in_dim3A_59 = vector.shape_cast %reduce_min3A_58 : vector<128xi32> to vector<128x1xi32>
    %eq3A_60 = arith.constant 8192 : i32
    %eq3A_61 = vector.broadcast %eq3A_60 : i32 to vector<128x1xi32>
    %eq3A_62 = arith.cmpi eq, %broadcast_in_dim3A_59, %eq3A_61 : vector<128x1xi32>
    %select_n3A_63 = arith.select %eq3A_62, %broadcast_in_dim3A_44, %broadcast_in_dim3A_59 : vector<128x1xi1>, vector<128x1xi32>
    %eq3A_64 = arith.constant 1 : i32
    %eq3A_65 = vector.broadcast %eq3A_64 : i32 to vector<1x32xi32>
    %eq3A_66 = arith.cmpi eq, %iota3A_40, %eq3A_65 : vector<1x32xi32>
    %broadcast_in_dim3A_67 = vector.shape_cast %eq3A_66 : vector<1x32xi1> to vector<1x32xi1>
    %broadcast_in_dim3A_68 = vector.broadcast %broadcast_in_dim3A_67 : vector<1x32xi1> to vector<128x32xi1>
    %broadcast_in_dim3A_69 = vector.shape_cast %select_n3A_63 : vector<128x1xi32> to vector<128x1xi32>
    %broadcast_in_dim3A_70 = vector.broadcast %broadcast_in_dim3A_69 : vector<128x1xi32> to vector<128x32xi32>
    %select_n3A_71 = arith.select %broadcast_in_dim3A_68, %broadcast_in_dim3A_70, %select_n3A_51 : vector<128x32xi1>, vector<128x32xi32>
    %eq3A_72 = vector.broadcast %broadcast_in_dim3A_59 : vector<128x1xi32> to vector<128x8192xi32>
    %eq3A_73 = arith.cmpi eq, %select_n3A_56, %eq3A_72 : vector<128x8192xi32>
    %jit3A_74 = arith.constant 8192 : i32
    %broadcast_in_dim3A_75 = vector.broadcast %jit3A_74 : i32 to vector<128x8192xi32>
    %select_n3A_76 = arith.select %eq3A_73, %broadcast_in_dim3A_75, %select_n3A_56 : vector<128x8192xi1>, vector<128x8192xi32>
    %reduce_min3A_77 = arith.constant dense<2147483647> : vector<128xi32>
    %reduce_min3A_78 = vector.multi_reduction <minsi>, %select_n3A_76, %reduce_min3A_77 [1] : vector<128x8192xi32> to vector<128xi32>
    %broadcast_in_dim3A_79 = vector.shape_cast %reduce_min3A_78 : vector<128xi32> to vector<128x1xi32>
    %eq3A_80 = arith.constant 8192 : i32
    %eq3A_81 = vector.broadcast %eq3A_80 : i32 to vector<128x1xi32>
    %eq3A_82 = arith.cmpi eq, %broadcast_in_dim3A_79, %eq3A_81 : vector<128x1xi32>
    %select_n3A_83 = arith.select %eq3A_82, %broadcast_in_dim3A_44, %broadcast_in_dim3A_79 : vector<128x1xi1>, vector<128x1xi32>
    %eq3A_84 = arith.constant 2 : i32
    %eq3A_85 = vector.broadcast %eq3A_84 : i32 to vector<1x32xi32>
    %eq3A_86 = arith.cmpi eq, %iota3A_40, %eq3A_85 : vector<1x32xi32>
    %broadcast_in_dim3A_87 = vector.shape_cast %eq3A_86 : vector<1x32xi1> to vector<1x32xi1>
    %broadcast_in_dim3A_88 = vector.broadcast %broadcast_in_dim3A_87 : vector<1x32xi1> to vector<128x32xi1>
    %broadcast_in_dim3A_89 = vector.shape_cast %select_n3A_83 : vector<128x1xi32> to vector<128x1xi32>
    %broadcast_in_dim3A_90 = vector.broadcast %broadcast_in_dim3A_89 : vector<128x1xi32> to vector<128x32xi32>
    %select_n3A_91 = arith.select %broadcast_in_dim3A_88, %broadcast_in_dim3A_90, %select_n3A_71 : vector<128x32xi1>, vector<128x32xi32>
    %eq3A_92 = vector.broadcast %broadcast_in_dim3A_79 : vector<128x1xi32> to vector<128x8192xi32>
    %eq3A_93 = arith.cmpi eq, %select_n3A_76, %eq3A_92 : vector<128x8192xi32>
    %jit3A_94 = arith.constant 8192 : i32
    %broadcast_in_dim3A_95 = vector.broadcast %jit3A_94 : i32 to vector<128x8192xi32>
    %select_n3A_96 = arith.select %eq3A_93, %broadcast_in_dim3A_95, %select_n3A_76 : vector<128x8192xi1>, vector<128x8192xi32>
    %reduce_min3A_97 = arith.constant dense<2147483647> : vector<128xi32>
    %reduce_min3A_98 = vector.multi_reduction <minsi>, %select_n3A_96, %reduce_min3A_97 [1] : vector<128x8192xi32> to vector<128xi32>
    %broadcast_in_dim3A_99 = vector.shape_cast %reduce_min3A_98 : vector<128xi32> to vector<128x1xi32>
    %eq3A_100 = arith.constant 8192 : i32
    %eq3A_101 = vector.broadcast %eq3A_100 : i32 to vector<128x1xi32>
    %eq3A_102 = arith.cmpi eq, %broadcast_in_dim3A_99, %eq3A_101 : vector<128x1xi32>
    %select_n3A_103 = arith.select %eq3A_102, %broadcast_in_dim3A_44, %broadcast_in_dim3A_99 : vector<128x1xi1>, vector<128x1xi32>
    %eq3A_104 = arith.constant 3 : i32
    %eq3A_105 = vector.broadcast %eq3A_104 : i32 to vector<1x32xi32>
    %eq3A_106 = arith.cmpi eq, %iota3A_40, %eq3A_105 : vector<1x32xi32>
    %broadcast_in_dim3A_107 = vector.shape_cast %eq3A_106 : vector<1x32xi1> to vector<1x32xi1>
    %broadcast_in_dim3A_108 = vector.broadcast %broadcast_in_dim3A_107 : vector<1x32xi1> to vector<128x32xi1>
    %broadcast_in_dim3A_109 = vector.shape_cast %select_n3A_103 : vector<128x1xi32> to vector<128x1xi32>
    %broadcast_in_dim3A_110 = vector.broadcast %broadcast_in_dim3A_109 : vector<128x1xi32> to vector<128x32xi32>
    %select_n3A_111 = arith.select %broadcast_in_dim3A_108, %broadcast_in_dim3A_110, %select_n3A_91 : vector<128x32xi1>, vector<128x32xi32>
    %eq3A_112 = vector.broadcast %broadcast_in_dim3A_99 : vector<128x1xi32> to vector<128x8192xi32>
    %eq3A_113 = arith.cmpi eq, %select_n3A_96, %eq3A_112 : vector<128x8192xi32>
    %jit3A_114 = arith.constant 8192 : i32
    %broadcast_in_dim3A_115 = vector.broadcast %jit3A_114 : i32 to vector<128x8192xi32>
    %select_n3A_116 = arith.select %eq3A_113, %broadcast_in_dim3A_115, %select_n3A_96 : vector<128x8192xi1>, vector<128x8192xi32>
    %reduce_min3A_117 = arith.constant dense<2147483647> : vector<128xi32>
    %reduce_min3A_118 = vector.multi_reduction <minsi>, %select_n3A_116, %reduce_min3A_117 [1] : vector<128x8192xi32> to vector<128xi32>
    %broadcast_in_dim3A_119 = vector.shape_cast %reduce_min3A_118 : vector<128xi32> to vector<128x1xi32>
    %eq3A_120 = arith.constant 8192 : i32
    %eq3A_121 = vector.broadcast %eq3A_120 : i32 to vector<128x1xi32>
    %eq3A_122 = arith.cmpi eq, %broadcast_in_dim3A_119, %eq3A_121 : vector<128x1xi32>
    %select_n3A_123 = arith.select %eq3A_122, %broadcast_in_dim3A_44, %broadcast_in_dim3A_119 : vector<128x1xi1>, vector<128x1xi32>
    %eq3A_124 = arith.constant 4 : i32
    %eq3A_125 = vector.broadcast %eq3A_124 : i32 to vector<1x32xi32>
    %eq3A_126 = arith.cmpi eq, %iota3A_40, %eq3A_125 : vector<1x32xi32>
    %broadcast_in_dim3A_127 = vector.shape_cast %eq3A_126 : vector<1x32xi1> to vector<1x32xi1>
    %broadcast_in_dim3A_128 = vector.broadcast %broadcast_in_dim3A_127 : vector<1x32xi1> to vector<128x32xi1>
    %broadcast_in_dim3A_129 = vector.shape_cast %select_n3A_123 : vector<128x1xi32> to vector<128x1xi32>
    %broadcast_in_dim3A_130 = vector.broadcast %broadcast_in_dim3A_129 : vector<128x1xi32> to vector<128x32xi32>
    %select_n3A_131 = arith.select %broadcast_in_dim3A_128, %broadcast_in_dim3A_130, %select_n3A_111 : vector<128x32xi1>, vector<128x32xi32>
    %eq3A_132 = vector.broadcast %broadcast_in_dim3A_119 : vector<128x1xi32> to vector<128x8192xi32>
    %eq3A_133 = arith.cmpi eq, %select_n3A_116, %eq3A_132 : vector<128x8192xi32>
    %jit3A_134 = arith.constant 8192 : i32
    %broadcast_in_dim3A_135 = vector.broadcast %jit3A_134 : i32 to vector<128x8192xi32>
    %select_n3A_136 = arith.select %eq3A_133, %broadcast_in_dim3A_135, %select_n3A_116 : vector<128x8192xi1>, vector<128x8192xi32>
    %reduce_min3A_137 = arith.constant dense<2147483647> : vector<128xi32>
    %reduce_min3A_138 = vector.multi_reduction <minsi>, %select_n3A_136, %reduce_min3A_137 [1] : vector<128x8192xi32> to vector<128xi32>
    %broadcast_in_dim3A_139 = vector.shape_cast %reduce_min3A_138 : vector<128xi32> to vector<128x1xi32>
    %eq3A_140 = arith.constant 8192 : i32
    %eq3A_141 = vector.broadcast %eq3A_140 : i32 to vector<128x1xi32>
    %eq3A_142 = arith.cmpi eq, %broadcast_in_dim3A_139, %eq3A_141 : vector<128x1xi32>
    %select_n3A_143 = arith.select %eq3A_142, %broadcast_in_dim3A_44, %broadcast_in_dim3A_139 : vector<128x1xi1>, vector<128x1xi32>
    %eq3A_144 = arith.constant 5 : i32
    %eq3A_145 = vector.broadcast %eq3A_144 : i32 to vector<1x32xi32>
    %eq3A_146 = arith.cmpi eq, %iota3A_40, %eq3A_145 : vector<1x32xi32>
    %broadcast_in_dim3A_147 = vector.shape_cast %eq3A_146 : vector<1x32xi1> to vector<1x32xi1>
    %broadcast_in_dim3A_148 = vector.broadcast %broadcast_in_dim3A_147 : vector<1x32xi1> to vector<128x32xi1>
    %broadcast_in_dim3A_149 = vector.shape_cast %select_n3A_143 : vector<128x1xi32> to vector<128x1xi32>
    %broadcast_in_dim3A_150 = vector.broadcast %broadcast_in_dim3A_149 : vector<128x1xi32> to vector<128x32xi32>
    %select_n3A_151 = arith.select %broadcast_in_dim3A_148, %broadcast_in_dim3A_150, %select_n3A_131 : vector<128x32xi1>, vector<128x32xi32>
    %eq3A_152 = vector.broadcast %broadcast_in_dim3A_139 : vector<128x1xi32> to vector<128x8192xi32>
    %eq3A_153 = arith.cmpi eq, %select_n3A_136, %eq3A_152 : vector<128x8192xi32>
    %jit3A_154 = arith.constant 8192 : i32
    %broadcast_in_dim3A_155 = vector.broadcast %jit3A_154 : i32 to vector<128x8192xi32>
    %select_n3A_156 = arith.select %eq3A_153, %broadcast_in_dim3A_155, %select_n3A_136 : vector<128x8192xi1>, vector<128x8192xi32>
    %reduce_min3A_157 = arith.constant dense<2147483647> : vector<128xi32>
    %reduce_min3A_158 = vector.multi_reduction <minsi>, %select_n3A_156, %reduce_min3A_157 [1] : vector<128x8192xi32> to vector<128xi32>
    %broadcast_in_dim3A_159 = vector.shape_cast %reduce_min3A_158 : vector<128xi32> to vector<128x1xi32>
    %eq3A_160 = arith.constant 8192 : i32
    %eq3A_161 = vector.broadcast %eq3A_160 : i32 to vector<128x1xi32>
    %eq3A_162 = arith.cmpi eq, %broadcast_in_dim3A_159, %eq3A_161 : vector<128x1xi32>
    %select_n3A_163 = arith.select %eq3A_162, %broadcast_in_dim3A_44, %broadcast_in_dim3A_159 : vector<128x1xi1>, vector<128x1xi32>
    %eq3A_164 = arith.constant 6 : i32
    %eq3A_165 = vector.broadcast %eq3A_164 : i32 to vector<1x32xi32>
    %eq3A_166 = arith.cmpi eq, %iota3A_40, %eq3A_165 : vector<1x32xi32>
    %broadcast_in_dim3A_167 = vector.shape_cast %eq3A_166 : vector<1x32xi1> to vector<1x32xi1>
    %broadcast_in_dim3A_168 = vector.broadcast %broadcast_in_dim3A_167 : vector<1x32xi1> to vector<128x32xi1>
    %broadcast_in_dim3A_169 = vector.shape_cast %select_n3A_163 : vector<128x1xi32> to vector<128x1xi32>
    %broadcast_in_dim3A_170 = vector.broadcast %broadcast_in_dim3A_169 : vector<128x1xi32> to vector<128x32xi32>
    %select_n3A_171 = arith.select %broadcast_in_dim3A_168, %broadcast_in_dim3A_170, %select_n3A_151 : vector<128x32xi1>, vector<128x32xi32>
    %eq3A_172 = vector.broadcast %broadcast_in_dim3A_159 : vector<128x1xi32> to vector<128x8192xi32>
    %eq3A_173 = arith.cmpi eq, %select_n3A_156, %eq3A_172 : vector<128x8192xi32>
    %jit3A_174 = arith.constant 8192 : i32
    %broadcast_in_dim3A_175 = vector.broadcast %jit3A_174 : i32 to vector<128x8192xi32>
    %select_n3A_176 = arith.select %eq3A_173, %broadcast_in_dim3A_175, %select_n3A_156 : vector<128x8192xi1>, vector<128x8192xi32>
    %reduce_min3A_177 = arith.constant dense<2147483647> : vector<128xi32>
    %reduce_min3A_178 = vector.multi_reduction <minsi>, %select_n3A_176, %reduce_min3A_177 [1] : vector<128x8192xi32> to vector<128xi32>
    %broadcast_in_dim3A_179 = vector.shape_cast %reduce_min3A_178 : vector<128xi32> to vector<128x1xi32>
    %eq3A_180 = arith.constant 8192 : i32
    %eq3A_181 = vector.broadcast %eq3A_180 : i32 to vector<128x1xi32>
    %eq3A_182 = arith.cmpi eq, %broadcast_in_dim3A_179, %eq3A_181 : vector<128x1xi32>
    %select_n3A_183 = arith.select %eq3A_182, %broadcast_in_dim3A_44, %broadcast_in_dim3A_179 : vector<128x1xi1>, vector<128x1xi32>
    %eq3A_184 = arith.constant 7 : i32
    %eq3A_185 = vector.broadcast %eq3A_184 : i32 to vector<1x32xi32>
    %eq3A_186 = arith.cmpi eq, %iota3A_40, %eq3A_185 : vector<1x32xi32>
    %broadcast_in_dim3A_187 = vector.shape_cast %eq3A_186 : vector<1x32xi1> to vector<1x32xi1>
    %broadcast_in_dim3A_188 = vector.broadcast %broadcast_in_dim3A_187 : vector<1x32xi1> to vector<128x32xi1>
    %broadcast_in_dim3A_189 = vector.shape_cast %select_n3A_183 : vector<128x1xi32> to vector<128x1xi32>
    %broadcast_in_dim3A_190 = vector.broadcast %broadcast_in_dim3A_189 : vector<128x1xi32> to vector<128x32xi32>
    %select_n3A_191 = arith.select %broadcast_in_dim3A_188, %broadcast_in_dim3A_190, %select_n3A_171 : vector<128x32xi1>, vector<128x32xi32>
    %eq3A_192 = vector.broadcast %broadcast_in_dim3A_179 : vector<128x1xi32> to vector<128x8192xi32>
    %eq3A_193 = arith.cmpi eq, %select_n3A_176, %eq3A_192 : vector<128x8192xi32>
    %jit3A_194 = arith.constant 8192 : i32
    %broadcast_in_dim3A_195 = vector.broadcast %jit3A_194 : i32 to vector<128x8192xi32>
    %select_n3A_196 = arith.select %eq3A_193, %broadcast_in_dim3A_195, %select_n3A_176 : vector<128x8192xi1>, vector<128x8192xi32>
    %reduce_min3A_197 = arith.constant dense<2147483647> : vector<128xi32>
    %reduce_min3A_198 = vector.multi_reduction <minsi>, %select_n3A_196, %reduce_min3A_197 [1] : vector<128x8192xi32> to vector<128xi32>
    %broadcast_in_dim3A_199 = vector.shape_cast %reduce_min3A_198 : vector<128xi32> to vector<128x1xi32>
    %eq3A_200 = arith.constant 8192 : i32
    %eq3A_201 = vector.broadcast %eq3A_200 : i32 to vector<128x1xi32>
    %eq3A_202 = arith.cmpi eq, %broadcast_in_dim3A_199, %eq3A_201 : vector<128x1xi32>
    %select_n3A_203 = arith.select %eq3A_202, %broadcast_in_dim3A_44, %broadcast_in_dim3A_199 : vector<128x1xi1>, vector<128x1xi32>
    %eq3A_204 = arith.constant 8 : i32
    %eq3A_205 = vector.broadcast %eq3A_204 : i32 to vector<1x32xi32>
    %eq3A_206 = arith.cmpi eq, %iota3A_40, %eq3A_205 : vector<1x32xi32>
    %broadcast_in_dim3A_207 = vector.shape_cast %eq3A_206 : vector<1x32xi1> to vector<1x32xi1>
    %broadcast_in_dim3A_208 = vector.broadcast %broadcast_in_dim3A_207 : vector<1x32xi1> to vector<128x32xi1>
    %broadcast_in_dim3A_209 = vector.shape_cast %select_n3A_203 : vector<128x1xi32> to vector<128x1xi32>
    %broadcast_in_dim3A_210 = vector.broadcast %broadcast_in_dim3A_209 : vector<128x1xi32> to vector<128x32xi32>
    %select_n3A_211 = arith.select %broadcast_in_dim3A_208, %broadcast_in_dim3A_210, %select_n3A_191 : vector<128x32xi1>, vector<128x32xi32>
    %eq3A_212 = vector.broadcast %broadcast_in_dim3A_199 : vector<128x1xi32> to vector<128x8192xi32>
    %eq3A_213 = arith.cmpi eq, %select_n3A_196, %eq3A_212 : vector<128x8192xi32>
    %jit3A_214 = arith.constant 8192 : i32
    %broadcast_in_dim3A_215 = vector.broadcast %jit3A_214 : i32 to vector<128x8192xi32>
    %select_n3A_216 = arith.select %eq3A_213, %broadcast_in_dim3A_215, %select_n3A_196 : vector<128x8192xi1>, vector<128x8192xi32>
    %reduce_min3A_217 = arith.constant dense<2147483647> : vector<128xi32>
    %reduce_min3A_218 = vector.multi_reduction <minsi>, %select_n3A_216, %reduce_min3A_217 [1] : vector<128x8192xi32> to vector<128xi32>
    %broadcast_in_dim3A_219 = vector.shape_cast %reduce_min3A_218 : vector<128xi32> to vector<128x1xi32>
    %eq3A_220 = arith.constant 8192 : i32
    %eq3A_221 = vector.broadcast %eq3A_220 : i32 to vector<128x1xi32>
    %eq3A_222 = arith.cmpi eq, %broadcast_in_dim3A_219, %eq3A_221 : vector<128x1xi32>
    %select_n3A_223 = arith.select %eq3A_222, %broadcast_in_dim3A_44, %broadcast_in_dim3A_219 : vector<128x1xi1>, vector<128x1xi32>
    %eq3A_224 = arith.constant 9 : i32
    %eq3A_225 = vector.broadcast %eq3A_224 : i32 to vector<1x32xi32>
    %eq3A_226 = arith.cmpi eq, %iota3A_40, %eq3A_225 : vector<1x32xi32>
    %broadcast_in_dim3A_227 = vector.shape_cast %eq3A_226 : vector<1x32xi1> to vector<1x32xi1>
    %broadcast_in_dim3A_228 = vector.broadcast %broadcast_in_dim3A_227 : vector<1x32xi1> to vector<128x32xi1>
    %broadcast_in_dim3A_229 = vector.shape_cast %select_n3A_223 : vector<128x1xi32> to vector<128x1xi32>
    %broadcast_in_dim3A_230 = vector.broadcast %broadcast_in_dim3A_229 : vector<128x1xi32> to vector<128x32xi32>
    %select_n3A_231 = arith.select %broadcast_in_dim3A_228, %broadcast_in_dim3A_230, %select_n3A_211 : vector<128x32xi1>, vector<128x32xi32>
    %eq3A_232 = vector.broadcast %broadcast_in_dim3A_219 : vector<128x1xi32> to vector<128x8192xi32>
    %eq3A_233 = arith.cmpi eq, %select_n3A_216, %eq3A_232 : vector<128x8192xi32>
    %jit3A_234 = arith.constant 8192 : i32
    %broadcast_in_dim3A_235 = vector.broadcast %jit3A_234 : i32 to vector<128x8192xi32>
    %select_n3A_236 = arith.select %eq3A_233, %broadcast_in_dim3A_235, %select_n3A_216 : vector<128x8192xi1>, vector<128x8192xi32>
    %reduce_min3A_237 = arith.constant dense<2147483647> : vector<128xi32>
    %reduce_min3A_238 = vector.multi_reduction <minsi>, %select_n3A_236, %reduce_min3A_237 [1] : vector<128x8192xi32> to vector<128xi32>
    %broadcast_in_dim3A_239 = vector.shape_cast %reduce_min3A_238 : vector<128xi32> to vector<128x1xi32>
    %eq3A_240 = arith.constant 8192 : i32
    %eq3A_241 = vector.broadcast %eq3A_240 : i32 to vector<128x1xi32>
    %eq3A_242 = arith.cmpi eq, %broadcast_in_dim3A_239, %eq3A_241 : vector<128x1xi32>
    %select_n3A_243 = arith.select %eq3A_242, %broadcast_in_dim3A_44, %broadcast_in_dim3A_239 : vector<128x1xi1>, vector<128x1xi32>
    %eq3A_244 = arith.constant 10 : i32
    %eq3A_245 = vector.broadcast %eq3A_244 : i32 to vector<1x32xi32>
    %eq3A_246 = arith.cmpi eq, %iota3A_40, %eq3A_245 : vector<1x32xi32>
    %broadcast_in_dim3A_247 = vector.shape_cast %eq3A_246 : vector<1x32xi1> to vector<1x32xi1>
    %broadcast_in_dim3A_248 = vector.broadcast %broadcast_in_dim3A_247 : vector<1x32xi1> to vector<128x32xi1>
    %broadcast_in_dim3A_249 = vector.shape_cast %select_n3A_243 : vector<128x1xi32> to vector<128x1xi32>
    %broadcast_in_dim3A_250 = vector.broadcast %broadcast_in_dim3A_249 : vector<128x1xi32> to vector<128x32xi32>
    %select_n3A_251 = arith.select %broadcast_in_dim3A_248, %broadcast_in_dim3A_250, %select_n3A_231 : vector<128x32xi1>, vector<128x32xi32>
    %eq3A_252 = vector.broadcast %broadcast_in_dim3A_239 : vector<128x1xi32> to vector<128x8192xi32>
    %eq3A_253 = arith.cmpi eq, %select_n3A_236, %eq3A_252 : vector<128x8192xi32>
    %jit3A_254 = arith.constant 8192 : i32
    %broadcast_in_dim3A_255 = vector.broadcast %jit3A_254 : i32 to vector<128x8192xi32>
    %select_n3A_256 = arith.select %eq3A_253, %broadcast_in_dim3A_255, %select_n3A_236 : vector<128x8192xi1>, vector<128x8192xi32>
    %reduce_min3A_257 = arith.constant dense<2147483647> : vector<128xi32>
    %reduce_min3A_258 = vector.multi_reduction <minsi>, %select_n3A_256, %reduce_min3A_257 [1] : vector<128x8192xi32> to vector<128xi32>
    %broadcast_in_dim3A_259 = vector.shape_cast %reduce_min3A_258 : vector<128xi32> to vector<128x1xi32>
    %eq3A_260 = arith.constant 8192 : i32
    %eq3A_261 = vector.broadcast %eq3A_260 : i32 to vector<128x1xi32>
    %eq3A_262 = arith.cmpi eq, %broadcast_in_dim3A_259, %eq3A_261 : vector<128x1xi32>
    %select_n3A_263 = arith.select %eq3A_262, %broadcast_in_dim3A_44, %broadcast_in_dim3A_259 : vector<128x1xi1>, vector<128x1xi32>
    %eq3A_264 = arith.constant 11 : i32
    %eq3A_265 = vector.broadcast %eq3A_264 : i32 to vector<1x32xi32>
    %eq3A_266 = arith.cmpi eq, %iota3A_40, %eq3A_265 : vector<1x32xi32>
    %broadcast_in_dim3A_267 = vector.shape_cast %eq3A_266 : vector<1x32xi1> to vector<1x32xi1>
    %broadcast_in_dim3A_268 = vector.broadcast %broadcast_in_dim3A_267 : vector<1x32xi1> to vector<128x32xi1>
    %broadcast_in_dim3A_269 = vector.shape_cast %select_n3A_263 : vector<128x1xi32> to vector<128x1xi32>
    %broadcast_in_dim3A_270 = vector.broadcast %broadcast_in_dim3A_269 : vector<128x1xi32> to vector<128x32xi32>
    %select_n3A_271 = arith.select %broadcast_in_dim3A_268, %broadcast_in_dim3A_270, %select_n3A_251 : vector<128x32xi1>, vector<128x32xi32>
    %eq3A_272 = vector.broadcast %broadcast_in_dim3A_259 : vector<128x1xi32> to vector<128x8192xi32>
    %eq3A_273 = arith.cmpi eq, %select_n3A_256, %eq3A_272 : vector<128x8192xi32>
    %jit3A_274 = arith.constant 8192 : i32
    %broadcast_in_dim3A_275 = vector.broadcast %jit3A_274 : i32 to vector<128x8192xi32>
    %select_n3A_276 = arith.select %eq3A_273, %broadcast_in_dim3A_275, %select_n3A_256 : vector<128x8192xi1>, vector<128x8192xi32>
    %reduce_min3A_277 = arith.constant dense<2147483647> : vector<128xi32>
    %reduce_min3A_278 = vector.multi_reduction <minsi>, %select_n3A_276, %reduce_min3A_277 [1] : vector<128x8192xi32> to vector<128xi32>
    %broadcast_in_dim3A_279 = vector.shape_cast %reduce_min3A_278 : vector<128xi32> to vector<128x1xi32>
    %eq3A_280 = arith.constant 8192 : i32
    %eq3A_281 = vector.broadcast %eq3A_280 : i32 to vector<128x1xi32>
    %eq3A_282 = arith.cmpi eq, %broadcast_in_dim3A_279, %eq3A_281 : vector<128x1xi32>
    %select_n3A_283 = arith.select %eq3A_282, %broadcast_in_dim3A_44, %broadcast_in_dim3A_279 : vector<128x1xi1>, vector<128x1xi32>
    %eq3A_284 = arith.constant 12 : i32
    %eq3A_285 = vector.broadcast %eq3A_284 : i32 to vector<1x32xi32>
    %eq3A_286 = arith.cmpi eq, %iota3A_40, %eq3A_285 : vector<1x32xi32>
    %broadcast_in_dim3A_287 = vector.shape_cast %eq3A_286 : vector<1x32xi1> to vector<1x32xi1>
    %broadcast_in_dim3A_288 = vector.broadcast %broadcast_in_dim3A_287 : vector<1x32xi1> to vector<128x32xi1>
    %broadcast_in_dim3A_289 = vector.shape_cast %select_n3A_283 : vector<128x1xi32> to vector<128x1xi32>
    %broadcast_in_dim3A_290 = vector.broadcast %broadcast_in_dim3A_289 : vector<128x1xi32> to vector<128x32xi32>
    %select_n3A_291 = arith.select %broadcast_in_dim3A_288, %broadcast_in_dim3A_290, %select_n3A_271 : vector<128x32xi1>, vector<128x32xi32>
    %eq3A_292 = vector.broadcast %broadcast_in_dim3A_279 : vector<128x1xi32> to vector<128x8192xi32>
    %eq3A_293 = arith.cmpi eq, %select_n3A_276, %eq3A_292 : vector<128x8192xi32>
    %jit3A_294 = arith.constant 8192 : i32
    %broadcast_in_dim3A_295 = vector.broadcast %jit3A_294 : i32 to vector<128x8192xi32>
    %select_n3A_296 = arith.select %eq3A_293, %broadcast_in_dim3A_295, %select_n3A_276 : vector<128x8192xi1>, vector<128x8192xi32>
    %reduce_min3A_297 = arith.constant dense<2147483647> : vector<128xi32>
    %reduce_min3A_298 = vector.multi_reduction <minsi>, %select_n3A_296, %reduce_min3A_297 [1] : vector<128x8192xi32> to vector<128xi32>
    %broadcast_in_dim3A_299 = vector.shape_cast %reduce_min3A_298 : vector<128xi32> to vector<128x1xi32>
    %eq3A_300 = arith.constant 8192 : i32
    %eq3A_301 = vector.broadcast %eq3A_300 : i32 to vector<128x1xi32>
    %eq3A_302 = arith.cmpi eq, %broadcast_in_dim3A_299, %eq3A_301 : vector<128x1xi32>
    %select_n3A_303 = arith.select %eq3A_302, %broadcast_in_dim3A_44, %broadcast_in_dim3A_299 : vector<128x1xi1>, vector<128x1xi32>
    %eq3A_304 = arith.constant 13 : i32
    %eq3A_305 = vector.broadcast %eq3A_304 : i32 to vector<1x32xi32>
    %eq3A_306 = arith.cmpi eq, %iota3A_40, %eq3A_305 : vector<1x32xi32>
    %broadcast_in_dim3A_307 = vector.shape_cast %eq3A_306 : vector<1x32xi1> to vector<1x32xi1>
    %broadcast_in_dim3A_308 = vector.broadcast %broadcast_in_dim3A_307 : vector<1x32xi1> to vector<128x32xi1>
    %broadcast_in_dim3A_309 = vector.shape_cast %select_n3A_303 : vector<128x1xi32> to vector<128x1xi32>
    %broadcast_in_dim3A_310 = vector.broadcast %broadcast_in_dim3A_309 : vector<128x1xi32> to vector<128x32xi32>
    %select_n3A_311 = arith.select %broadcast_in_dim3A_308, %broadcast_in_dim3A_310, %select_n3A_291 : vector<128x32xi1>, vector<128x32xi32>
    %eq3A_312 = vector.broadcast %broadcast_in_dim3A_299 : vector<128x1xi32> to vector<128x8192xi32>
    %eq3A_313 = arith.cmpi eq, %select_n3A_296, %eq3A_312 : vector<128x8192xi32>
    %jit3A_314 = arith.constant 8192 : i32
    %broadcast_in_dim3A_315 = vector.broadcast %jit3A_314 : i32 to vector<128x8192xi32>
    %select_n3A_316 = arith.select %eq3A_313, %broadcast_in_dim3A_315, %select_n3A_296 : vector<128x8192xi1>, vector<128x8192xi32>
    %reduce_min3A_317 = arith.constant dense<2147483647> : vector<128xi32>
    %reduce_min3A_318 = vector.multi_reduction <minsi>, %select_n3A_316, %reduce_min3A_317 [1] : vector<128x8192xi32> to vector<128xi32>
    %broadcast_in_dim3A_319 = vector.shape_cast %reduce_min3A_318 : vector<128xi32> to vector<128x1xi32>
    %eq3A_320 = arith.constant 8192 : i32
    %eq3A_321 = vector.broadcast %eq3A_320 : i32 to vector<128x1xi32>
    %eq3A_322 = arith.cmpi eq, %broadcast_in_dim3A_319, %eq3A_321 : vector<128x1xi32>
    %select_n3A_323 = arith.select %eq3A_322, %broadcast_in_dim3A_44, %broadcast_in_dim3A_319 : vector<128x1xi1>, vector<128x1xi32>
    %eq3A_324 = arith.constant 14 : i32
    %eq3A_325 = vector.broadcast %eq3A_324 : i32 to vector<1x32xi32>
    %eq3A_326 = arith.cmpi eq, %iota3A_40, %eq3A_325 : vector<1x32xi32>
    %broadcast_in_dim3A_327 = vector.shape_cast %eq3A_326 : vector<1x32xi1> to vector<1x32xi1>
    %broadcast_in_dim3A_328 = vector.broadcast %broadcast_in_dim3A_327 : vector<1x32xi1> to vector<128x32xi1>
    %broadcast_in_dim3A_329 = vector.shape_cast %select_n3A_323 : vector<128x1xi32> to vector<128x1xi32>
    %broadcast_in_dim3A_330 = vector.broadcast %broadcast_in_dim3A_329 : vector<128x1xi32> to vector<128x32xi32>
    %select_n3A_331 = arith.select %broadcast_in_dim3A_328, %broadcast_in_dim3A_330, %select_n3A_311 : vector<128x32xi1>, vector<128x32xi32>
    %eq3A_332 = vector.broadcast %broadcast_in_dim3A_319 : vector<128x1xi32> to vector<128x8192xi32>
    %eq3A_333 = arith.cmpi eq, %select_n3A_316, %eq3A_332 : vector<128x8192xi32>
    %jit3A_334 = arith.constant 8192 : i32
    %broadcast_in_dim3A_335 = vector.broadcast %jit3A_334 : i32 to vector<128x8192xi32>
    %select_n3A_336 = arith.select %eq3A_333, %broadcast_in_dim3A_335, %select_n3A_316 : vector<128x8192xi1>, vector<128x8192xi32>
    %reduce_min3A_337 = arith.constant dense<2147483647> : vector<128xi32>
    %reduce_min3A_338 = vector.multi_reduction <minsi>, %select_n3A_336, %reduce_min3A_337 [1] : vector<128x8192xi32> to vector<128xi32>
    %broadcast_in_dim3A_339 = vector.shape_cast %reduce_min3A_338 : vector<128xi32> to vector<128x1xi32>
    %eq3A_340 = arith.constant 8192 : i32
    %eq3A_341 = vector.broadcast %eq3A_340 : i32 to vector<128x1xi32>
    %eq3A_342 = arith.cmpi eq, %broadcast_in_dim3A_339, %eq3A_341 : vector<128x1xi32>
    %select_n3A_343 = arith.select %eq3A_342, %broadcast_in_dim3A_44, %broadcast_in_dim3A_339 : vector<128x1xi1>, vector<128x1xi32>
    %eq3A_344 = arith.constant 15 : i32
    %eq3A_345 = vector.broadcast %eq3A_344 : i32 to vector<1x32xi32>
    %eq3A_346 = arith.cmpi eq, %iota3A_40, %eq3A_345 : vector<1x32xi32>
    %broadcast_in_dim3A_347 = vector.shape_cast %eq3A_346 : vector<1x32xi1> to vector<1x32xi1>
    %broadcast_in_dim3A_348 = vector.broadcast %broadcast_in_dim3A_347 : vector<1x32xi1> to vector<128x32xi1>
    %broadcast_in_dim3A_349 = vector.shape_cast %select_n3A_343 : vector<128x1xi32> to vector<128x1xi32>
    %broadcast_in_dim3A_350 = vector.broadcast %broadcast_in_dim3A_349 : vector<128x1xi32> to vector<128x32xi32>
    %select_n3A_351 = arith.select %broadcast_in_dim3A_348, %broadcast_in_dim3A_350, %select_n3A_331 : vector<128x32xi1>, vector<128x32xi32>
    %eq3A_352 = vector.broadcast %broadcast_in_dim3A_339 : vector<128x1xi32> to vector<128x8192xi32>
    %eq3A_353 = arith.cmpi eq, %select_n3A_336, %eq3A_352 : vector<128x8192xi32>
    %jit3A_354 = arith.constant 8192 : i32
    %broadcast_in_dim3A_355 = vector.broadcast %jit3A_354 : i32 to vector<128x8192xi32>
    %select_n3A_356 = arith.select %eq3A_353, %broadcast_in_dim3A_355, %select_n3A_336 : vector<128x8192xi1>, vector<128x8192xi32>
    %reduce_min3A_357 = arith.constant dense<2147483647> : vector<128xi32>
    %reduce_min3A_358 = vector.multi_reduction <minsi>, %select_n3A_356, %reduce_min3A_357 [1] : vector<128x8192xi32> to vector<128xi32>
    %broadcast_in_dim3A_359 = vector.shape_cast %reduce_min3A_358 : vector<128xi32> to vector<128x1xi32>
    %eq3A_360 = arith.constant 8192 : i32
    %eq3A_361 = vector.broadcast %eq3A_360 : i32 to vector<128x1xi32>
    %eq3A_362 = arith.cmpi eq, %broadcast_in_dim3A_359, %eq3A_361 : vector<128x1xi32>
    %select_n3A_363 = arith.select %eq3A_362, %broadcast_in_dim3A_44, %broadcast_in_dim3A_359 : vector<128x1xi1>, vector<128x1xi32>
    %eq3A_364 = arith.constant 16 : i32
    %eq3A_365 = vector.broadcast %eq3A_364 : i32 to vector<1x32xi32>
    %eq3A_366 = arith.cmpi eq, %iota3A_40, %eq3A_365 : vector<1x32xi32>
    %broadcast_in_dim3A_367 = vector.shape_cast %eq3A_366 : vector<1x32xi1> to vector<1x32xi1>
    %broadcast_in_dim3A_368 = vector.broadcast %broadcast_in_dim3A_367 : vector<1x32xi1> to vector<128x32xi1>
    %broadcast_in_dim3A_369 = vector.shape_cast %select_n3A_363 : vector<128x1xi32> to vector<128x1xi32>
    %broadcast_in_dim3A_370 = vector.broadcast %broadcast_in_dim3A_369 : vector<128x1xi32> to vector<128x32xi32>
    %select_n3A_371 = arith.select %broadcast_in_dim3A_368, %broadcast_in_dim3A_370, %select_n3A_351 : vector<128x32xi1>, vector<128x32xi32>
    %eq3A_372 = vector.broadcast %broadcast_in_dim3A_359 : vector<128x1xi32> to vector<128x8192xi32>
    %eq3A_373 = arith.cmpi eq, %select_n3A_356, %eq3A_372 : vector<128x8192xi32>
    %jit3A_374 = arith.constant 8192 : i32
    %broadcast_in_dim3A_375 = vector.broadcast %jit3A_374 : i32 to vector<128x8192xi32>
    %select_n3A_376 = arith.select %eq3A_373, %broadcast_in_dim3A_375, %select_n3A_356 : vector<128x8192xi1>, vector<128x8192xi32>
    %reduce_min3A_377 = arith.constant dense<2147483647> : vector<128xi32>
    %reduce_min3A_378 = vector.multi_reduction <minsi>, %select_n3A_376, %reduce_min3A_377 [1] : vector<128x8192xi32> to vector<128xi32>
    %broadcast_in_dim3A_379 = vector.shape_cast %reduce_min3A_378 : vector<128xi32> to vector<128x1xi32>
    %eq3A_380 = arith.constant 8192 : i32
    %eq3A_381 = vector.broadcast %eq3A_380 : i32 to vector<128x1xi32>
    %eq3A_382 = arith.cmpi eq, %broadcast_in_dim3A_379, %eq3A_381 : vector<128x1xi32>
    %select_n3A_383 = arith.select %eq3A_382, %broadcast_in_dim3A_44, %broadcast_in_dim3A_379 : vector<128x1xi1>, vector<128x1xi32>
    %eq3A_384 = arith.constant 17 : i32
    %eq3A_385 = vector.broadcast %eq3A_384 : i32 to vector<1x32xi32>
    %eq3A_386 = arith.cmpi eq, %iota3A_40, %eq3A_385 : vector<1x32xi32>
    %broadcast_in_dim3A_387 = vector.shape_cast %eq3A_386 : vector<1x32xi1> to vector<1x32xi1>
    %broadcast_in_dim3A_388 = vector.broadcast %broadcast_in_dim3A_387 : vector<1x32xi1> to vector<128x32xi1>
    %broadcast_in_dim3A_389 = vector.shape_cast %select_n3A_383 : vector<128x1xi32> to vector<128x1xi32>
    %broadcast_in_dim3A_390 = vector.broadcast %broadcast_in_dim3A_389 : vector<128x1xi32> to vector<128x32xi32>
    %select_n3A_391 = arith.select %broadcast_in_dim3A_388, %broadcast_in_dim3A_390, %select_n3A_371 : vector<128x32xi1>, vector<128x32xi32>
    %eq3A_392 = vector.broadcast %broadcast_in_dim3A_379 : vector<128x1xi32> to vector<128x8192xi32>
    %eq3A_393 = arith.cmpi eq, %select_n3A_376, %eq3A_392 : vector<128x8192xi32>
    %jit3A_394 = arith.constant 8192 : i32
    %broadcast_in_dim3A_395 = vector.broadcast %jit3A_394 : i32 to vector<128x8192xi32>
    %select_n3A_396 = arith.select %eq3A_393, %broadcast_in_dim3A_395, %select_n3A_376 : vector<128x8192xi1>, vector<128x8192xi32>
    %reduce_min3A_397 = arith.constant dense<2147483647> : vector<128xi32>
    %reduce_min3A_398 = vector.multi_reduction <minsi>, %select_n3A_396, %reduce_min3A_397 [1] : vector<128x8192xi32> to vector<128xi32>
    %broadcast_in_dim3A_399 = vector.shape_cast %reduce_min3A_398 : vector<128xi32> to vector<128x1xi32>
    %eq3A_400 = arith.constant 8192 : i32
    %eq3A_401 = vector.broadcast %eq3A_400 : i32 to vector<128x1xi32>
    %eq3A_402 = arith.cmpi eq, %broadcast_in_dim3A_399, %eq3A_401 : vector<128x1xi32>
    %select_n3A_403 = arith.select %eq3A_402, %broadcast_in_dim3A_44, %broadcast_in_dim3A_399 : vector<128x1xi1>, vector<128x1xi32>
    %eq3A_404 = arith.constant 18 : i32
    %eq3A_405 = vector.broadcast %eq3A_404 : i32 to vector<1x32xi32>
    %eq3A_406 = arith.cmpi eq, %iota3A_40, %eq3A_405 : vector<1x32xi32>
    %broadcast_in_dim3A_407 = vector.shape_cast %eq3A_406 : vector<1x32xi1> to vector<1x32xi1>
    %broadcast_in_dim3A_408 = vector.broadcast %broadcast_in_dim3A_407 : vector<1x32xi1> to vector<128x32xi1>
    %broadcast_in_dim3A_409 = vector.shape_cast %select_n3A_403 : vector<128x1xi32> to vector<128x1xi32>
    %broadcast_in_dim3A_410 = vector.broadcast %broadcast_in_dim3A_409 : vector<128x1xi32> to vector<128x32xi32>
    %select_n3A_411 = arith.select %broadcast_in_dim3A_408, %broadcast_in_dim3A_410, %select_n3A_391 : vector<128x32xi1>, vector<128x32xi32>
    %eq3A_412 = vector.broadcast %broadcast_in_dim3A_399 : vector<128x1xi32> to vector<128x8192xi32>
    %eq3A_413 = arith.cmpi eq, %select_n3A_396, %eq3A_412 : vector<128x8192xi32>
    %jit3A_414 = arith.constant 8192 : i32
    %broadcast_in_dim3A_415 = vector.broadcast %jit3A_414 : i32 to vector<128x8192xi32>
    %select_n3A_416 = arith.select %eq3A_413, %broadcast_in_dim3A_415, %select_n3A_396 : vector<128x8192xi1>, vector<128x8192xi32>
    %reduce_min3A_417 = arith.constant dense<2147483647> : vector<128xi32>
    %reduce_min3A_418 = vector.multi_reduction <minsi>, %select_n3A_416, %reduce_min3A_417 [1] : vector<128x8192xi32> to vector<128xi32>
    %broadcast_in_dim3A_419 = vector.shape_cast %reduce_min3A_418 : vector<128xi32> to vector<128x1xi32>
    %eq3A_420 = arith.constant 8192 : i32
    %eq3A_421 = vector.broadcast %eq3A_420 : i32 to vector<128x1xi32>
    %eq3A_422 = arith.cmpi eq, %broadcast_in_dim3A_419, %eq3A_421 : vector<128x1xi32>
    %select_n3A_423 = arith.select %eq3A_422, %broadcast_in_dim3A_44, %broadcast_in_dim3A_419 : vector<128x1xi1>, vector<128x1xi32>
    %eq3A_424 = arith.constant 19 : i32
    %eq3A_425 = vector.broadcast %eq3A_424 : i32 to vector<1x32xi32>
    %eq3A_426 = arith.cmpi eq, %iota3A_40, %eq3A_425 : vector<1x32xi32>
    %broadcast_in_dim3A_427 = vector.shape_cast %eq3A_426 : vector<1x32xi1> to vector<1x32xi1>
    %broadcast_in_dim3A_428 = vector.broadcast %broadcast_in_dim3A_427 : vector<1x32xi1> to vector<128x32xi1>
    %broadcast_in_dim3A_429 = vector.shape_cast %select_n3A_423 : vector<128x1xi32> to vector<128x1xi32>
    %broadcast_in_dim3A_430 = vector.broadcast %broadcast_in_dim3A_429 : vector<128x1xi32> to vector<128x32xi32>
    %select_n3A_431 = arith.select %broadcast_in_dim3A_428, %broadcast_in_dim3A_430, %select_n3A_411 : vector<128x32xi1>, vector<128x32xi32>
    %eq3A_432 = vector.broadcast %broadcast_in_dim3A_419 : vector<128x1xi32> to vector<128x8192xi32>
    %eq3A_433 = arith.cmpi eq, %select_n3A_416, %eq3A_432 : vector<128x8192xi32>
    %jit3A_434 = arith.constant 8192 : i32
    %broadcast_in_dim3A_435 = vector.broadcast %jit3A_434 : i32 to vector<128x8192xi32>
    %select_n3A_436 = arith.select %eq3A_433, %broadcast_in_dim3A_435, %select_n3A_416 : vector<128x8192xi1>, vector<128x8192xi32>
    %reduce_min3A_437 = arith.constant dense<2147483647> : vector<128xi32>
    %reduce_min3A_438 = vector.multi_reduction <minsi>, %select_n3A_436, %reduce_min3A_437 [1] : vector<128x8192xi32> to vector<128xi32>
    %broadcast_in_dim3A_439 = vector.shape_cast %reduce_min3A_438 : vector<128xi32> to vector<128x1xi32>
    %eq3A_440 = arith.constant 8192 : i32
    %eq3A_441 = vector.broadcast %eq3A_440 : i32 to vector<128x1xi32>
    %eq3A_442 = arith.cmpi eq, %broadcast_in_dim3A_439, %eq3A_441 : vector<128x1xi32>
    %select_n3A_443 = arith.select %eq3A_442, %broadcast_in_dim3A_44, %broadcast_in_dim3A_439 : vector<128x1xi1>, vector<128x1xi32>
    %eq3A_444 = arith.constant 20 : i32
    %eq3A_445 = vector.broadcast %eq3A_444 : i32 to vector<1x32xi32>
    %eq3A_446 = arith.cmpi eq, %iota3A_40, %eq3A_445 : vector<1x32xi32>
    %broadcast_in_dim3A_447 = vector.shape_cast %eq3A_446 : vector<1x32xi1> to vector<1x32xi1>
    %broadcast_in_dim3A_448 = vector.broadcast %broadcast_in_dim3A_447 : vector<1x32xi1> to vector<128x32xi1>
    %broadcast_in_dim3A_449 = vector.shape_cast %select_n3A_443 : vector<128x1xi32> to vector<128x1xi32>
    %broadcast_in_dim3A_450 = vector.broadcast %broadcast_in_dim3A_449 : vector<128x1xi32> to vector<128x32xi32>
    %select_n3A_451 = arith.select %broadcast_in_dim3A_448, %broadcast_in_dim3A_450, %select_n3A_431 : vector<128x32xi1>, vector<128x32xi32>
    %eq3A_452 = vector.broadcast %broadcast_in_dim3A_439 : vector<128x1xi32> to vector<128x8192xi32>
    %eq3A_453 = arith.cmpi eq, %select_n3A_436, %eq3A_452 : vector<128x8192xi32>
    %jit3A_454 = arith.constant 8192 : i32
    %broadcast_in_dim3A_455 = vector.broadcast %jit3A_454 : i32 to vector<128x8192xi32>
    %select_n3A_456 = arith.select %eq3A_453, %broadcast_in_dim3A_455, %select_n3A_436 : vector<128x8192xi1>, vector<128x8192xi32>
    %reduce_min3A_457 = arith.constant dense<2147483647> : vector<128xi32>
    %reduce_min3A_458 = vector.multi_reduction <minsi>, %select_n3A_456, %reduce_min3A_457 [1] : vector<128x8192xi32> to vector<128xi32>
    %broadcast_in_dim3A_459 = vector.shape_cast %reduce_min3A_458 : vector<128xi32> to vector<128x1xi32>
    %eq3A_460 = arith.constant 8192 : i32
    %eq3A_461 = vector.broadcast %eq3A_460 : i32 to vector<128x1xi32>
    %eq3A_462 = arith.cmpi eq, %broadcast_in_dim3A_459, %eq3A_461 : vector<128x1xi32>
    %select_n3A_463 = arith.select %eq3A_462, %broadcast_in_dim3A_44, %broadcast_in_dim3A_459 : vector<128x1xi1>, vector<128x1xi32>
    %eq3A_464 = arith.constant 21 : i32
    %eq3A_465 = vector.broadcast %eq3A_464 : i32 to vector<1x32xi32>
    %eq3A_466 = arith.cmpi eq, %iota3A_40, %eq3A_465 : vector<1x32xi32>
    %broadcast_in_dim3A_467 = vector.shape_cast %eq3A_466 : vector<1x32xi1> to vector<1x32xi1>
    %broadcast_in_dim3A_468 = vector.broadcast %broadcast_in_dim3A_467 : vector<1x32xi1> to vector<128x32xi1>
    %broadcast_in_dim3A_469 = vector.shape_cast %select_n3A_463 : vector<128x1xi32> to vector<128x1xi32>
    %broadcast_in_dim3A_470 = vector.broadcast %broadcast_in_dim3A_469 : vector<128x1xi32> to vector<128x32xi32>
    %select_n3A_471 = arith.select %broadcast_in_dim3A_468, %broadcast_in_dim3A_470, %select_n3A_451 : vector<128x32xi1>, vector<128x32xi32>
    %eq3A_472 = vector.broadcast %broadcast_in_dim3A_459 : vector<128x1xi32> to vector<128x8192xi32>
    %eq3A_473 = arith.cmpi eq, %select_n3A_456, %eq3A_472 : vector<128x8192xi32>
    %jit3A_474 = arith.constant 8192 : i32
    %broadcast_in_dim3A_475 = vector.broadcast %jit3A_474 : i32 to vector<128x8192xi32>
    %select_n3A_476 = arith.select %eq3A_473, %broadcast_in_dim3A_475, %select_n3A_456 : vector<128x8192xi1>, vector<128x8192xi32>
    %reduce_min3A_477 = arith.constant dense<2147483647> : vector<128xi32>
    %reduce_min3A_478 = vector.multi_reduction <minsi>, %select_n3A_476, %reduce_min3A_477 [1] : vector<128x8192xi32> to vector<128xi32>
    %broadcast_in_dim3A_479 = vector.shape_cast %reduce_min3A_478 : vector<128xi32> to vector<128x1xi32>
    %eq3A_480 = arith.constant 8192 : i32
    %eq3A_481 = vector.broadcast %eq3A_480 : i32 to vector<128x1xi32>
    %eq3A_482 = arith.cmpi eq, %broadcast_in_dim3A_479, %eq3A_481 : vector<128x1xi32>
    %select_n3A_483 = arith.select %eq3A_482, %broadcast_in_dim3A_44, %broadcast_in_dim3A_479 : vector<128x1xi1>, vector<128x1xi32>
    %eq3A_484 = arith.constant 22 : i32
    %eq3A_485 = vector.broadcast %eq3A_484 : i32 to vector<1x32xi32>
    %eq3A_486 = arith.cmpi eq, %iota3A_40, %eq3A_485 : vector<1x32xi32>
    %broadcast_in_dim3A_487 = vector.shape_cast %eq3A_486 : vector<1x32xi1> to vector<1x32xi1>
    %broadcast_in_dim3A_488 = vector.broadcast %broadcast_in_dim3A_487 : vector<1x32xi1> to vector<128x32xi1>
    %broadcast_in_dim3A_489 = vector.shape_cast %select_n3A_483 : vector<128x1xi32> to vector<128x1xi32>
    %broadcast_in_dim3A_490 = vector.broadcast %broadcast_in_dim3A_489 : vector<128x1xi32> to vector<128x32xi32>
    %select_n3A_491 = arith.select %broadcast_in_dim3A_488, %broadcast_in_dim3A_490, %select_n3A_471 : vector<128x32xi1>, vector<128x32xi32>
    %eq3A_492 = vector.broadcast %broadcast_in_dim3A_479 : vector<128x1xi32> to vector<128x8192xi32>
    %eq3A_493 = arith.cmpi eq, %select_n3A_476, %eq3A_492 : vector<128x8192xi32>
    %jit3A_494 = arith.constant 8192 : i32
    %broadcast_in_dim3A_495 = vector.broadcast %jit3A_494 : i32 to vector<128x8192xi32>
    %select_n3A_496 = arith.select %eq3A_493, %broadcast_in_dim3A_495, %select_n3A_476 : vector<128x8192xi1>, vector<128x8192xi32>
    %reduce_min3A_497 = arith.constant dense<2147483647> : vector<128xi32>
    %reduce_min3A_498 = vector.multi_reduction <minsi>, %select_n3A_496, %reduce_min3A_497 [1] : vector<128x8192xi32> to vector<128xi32>
    %broadcast_in_dim3A_499 = vector.shape_cast %reduce_min3A_498 : vector<128xi32> to vector<128x1xi32>
    %eq3A_500 = arith.constant 8192 : i32
    %eq3A_501 = vector.broadcast %eq3A_500 : i32 to vector<128x1xi32>
    %eq3A_502 = arith.cmpi eq, %broadcast_in_dim3A_499, %eq3A_501 : vector<128x1xi32>
    %select_n3A_503 = arith.select %eq3A_502, %broadcast_in_dim3A_44, %broadcast_in_dim3A_499 : vector<128x1xi1>, vector<128x1xi32>
    %eq3A_504 = arith.constant 23 : i32
    %eq3A_505 = vector.broadcast %eq3A_504 : i32 to vector<1x32xi32>
    %eq3A_506 = arith.cmpi eq, %iota3A_40, %eq3A_505 : vector<1x32xi32>
    %broadcast_in_dim3A_507 = vector.shape_cast %eq3A_506 : vector<1x32xi1> to vector<1x32xi1>
    %broadcast_in_dim3A_508 = vector.broadcast %broadcast_in_dim3A_507 : vector<1x32xi1> to vector<128x32xi1>
    %broadcast_in_dim3A_509 = vector.shape_cast %select_n3A_503 : vector<128x1xi32> to vector<128x1xi32>
    %broadcast_in_dim3A_510 = vector.broadcast %broadcast_in_dim3A_509 : vector<128x1xi32> to vector<128x32xi32>
    %select_n3A_511 = arith.select %broadcast_in_dim3A_508, %broadcast_in_dim3A_510, %select_n3A_491 : vector<128x32xi1>, vector<128x32xi32>
    %eq3A_512 = vector.broadcast %broadcast_in_dim3A_499 : vector<128x1xi32> to vector<128x8192xi32>
    %eq3A_513 = arith.cmpi eq, %select_n3A_496, %eq3A_512 : vector<128x8192xi32>
    %jit3A_514 = arith.constant 8192 : i32
    %broadcast_in_dim3A_515 = vector.broadcast %jit3A_514 : i32 to vector<128x8192xi32>
    %select_n3A_516 = arith.select %eq3A_513, %broadcast_in_dim3A_515, %select_n3A_496 : vector<128x8192xi1>, vector<128x8192xi32>
    %reduce_min3A_517 = arith.constant dense<2147483647> : vector<128xi32>
    %reduce_min3A_518 = vector.multi_reduction <minsi>, %select_n3A_516, %reduce_min3A_517 [1] : vector<128x8192xi32> to vector<128xi32>
    %broadcast_in_dim3A_519 = vector.shape_cast %reduce_min3A_518 : vector<128xi32> to vector<128x1xi32>
    %eq3A_520 = arith.constant 8192 : i32
    %eq3A_521 = vector.broadcast %eq3A_520 : i32 to vector<128x1xi32>
    %eq3A_522 = arith.cmpi eq, %broadcast_in_dim3A_519, %eq3A_521 : vector<128x1xi32>
    %select_n3A_523 = arith.select %eq3A_522, %broadcast_in_dim3A_44, %broadcast_in_dim3A_519 : vector<128x1xi1>, vector<128x1xi32>
    %eq3A_524 = arith.constant 24 : i32
    %eq3A_525 = vector.broadcast %eq3A_524 : i32 to vector<1x32xi32>
    %eq3A_526 = arith.cmpi eq, %iota3A_40, %eq3A_525 : vector<1x32xi32>
    %broadcast_in_dim3A_527 = vector.shape_cast %eq3A_526 : vector<1x32xi1> to vector<1x32xi1>
    %broadcast_in_dim3A_528 = vector.broadcast %broadcast_in_dim3A_527 : vector<1x32xi1> to vector<128x32xi1>
    %broadcast_in_dim3A_529 = vector.shape_cast %select_n3A_523 : vector<128x1xi32> to vector<128x1xi32>
    %broadcast_in_dim3A_530 = vector.broadcast %broadcast_in_dim3A_529 : vector<128x1xi32> to vector<128x32xi32>
    %select_n3A_531 = arith.select %broadcast_in_dim3A_528, %broadcast_in_dim3A_530, %select_n3A_511 : vector<128x32xi1>, vector<128x32xi32>
    %eq3A_532 = vector.broadcast %broadcast_in_dim3A_519 : vector<128x1xi32> to vector<128x8192xi32>
    %eq3A_533 = arith.cmpi eq, %select_n3A_516, %eq3A_532 : vector<128x8192xi32>
    %jit3A_534 = arith.constant 8192 : i32
    %broadcast_in_dim3A_535 = vector.broadcast %jit3A_534 : i32 to vector<128x8192xi32>
    %select_n3A_536 = arith.select %eq3A_533, %broadcast_in_dim3A_535, %select_n3A_516 : vector<128x8192xi1>, vector<128x8192xi32>
    %reduce_min3A_537 = arith.constant dense<2147483647> : vector<128xi32>
    %reduce_min3A_538 = vector.multi_reduction <minsi>, %select_n3A_536, %reduce_min3A_537 [1] : vector<128x8192xi32> to vector<128xi32>
    %broadcast_in_dim3A_539 = vector.shape_cast %reduce_min3A_538 : vector<128xi32> to vector<128x1xi32>
    %eq3A_540 = arith.constant 8192 : i32
    %eq3A_541 = vector.broadcast %eq3A_540 : i32 to vector<128x1xi32>
    %eq3A_542 = arith.cmpi eq, %broadcast_in_dim3A_539, %eq3A_541 : vector<128x1xi32>
    %select_n3A_543 = arith.select %eq3A_542, %broadcast_in_dim3A_44, %broadcast_in_dim3A_539 : vector<128x1xi1>, vector<128x1xi32>
    %eq3A_544 = arith.constant 25 : i32
    %eq3A_545 = vector.broadcast %eq3A_544 : i32 to vector<1x32xi32>
    %eq3A_546 = arith.cmpi eq, %iota3A_40, %eq3A_545 : vector<1x32xi32>
    %broadcast_in_dim3A_547 = vector.shape_cast %eq3A_546 : vector<1x32xi1> to vector<1x32xi1>
    %broadcast_in_dim3A_548 = vector.broadcast %broadcast_in_dim3A_547 : vector<1x32xi1> to vector<128x32xi1>
    %broadcast_in_dim3A_549 = vector.shape_cast %select_n3A_543 : vector<128x1xi32> to vector<128x1xi32>
    %broadcast_in_dim3A_550 = vector.broadcast %broadcast_in_dim3A_549 : vector<128x1xi32> to vector<128x32xi32>
    %select_n3A_551 = arith.select %broadcast_in_dim3A_548, %broadcast_in_dim3A_550, %select_n3A_531 : vector<128x32xi1>, vector<128x32xi32>
    %eq3A_552 = vector.broadcast %broadcast_in_dim3A_539 : vector<128x1xi32> to vector<128x8192xi32>
    %eq3A_553 = arith.cmpi eq, %select_n3A_536, %eq3A_552 : vector<128x8192xi32>
    %jit3A_554 = arith.constant 8192 : i32
    %broadcast_in_dim3A_555 = vector.broadcast %jit3A_554 : i32 to vector<128x8192xi32>
    %select_n3A_556 = arith.select %eq3A_553, %broadcast_in_dim3A_555, %select_n3A_536 : vector<128x8192xi1>, vector<128x8192xi32>
    %reduce_min3A_557 = arith.constant dense<2147483647> : vector<128xi32>
    %reduce_min3A_558 = vector.multi_reduction <minsi>, %select_n3A_556, %reduce_min3A_557 [1] : vector<128x8192xi32> to vector<128xi32>
    %broadcast_in_dim3A_559 = vector.shape_cast %reduce_min3A_558 : vector<128xi32> to vector<128x1xi32>
    %eq3A_560 = arith.constant 8192 : i32
    %eq3A_561 = vector.broadcast %eq3A_560 : i32 to vector<128x1xi32>
    %eq3A_562 = arith.cmpi eq, %broadcast_in_dim3A_559, %eq3A_561 : vector<128x1xi32>
    %select_n3A_563 = arith.select %eq3A_562, %broadcast_in_dim3A_44, %broadcast_in_dim3A_559 : vector<128x1xi1>, vector<128x1xi32>
    %eq3A_564 = arith.constant 26 : i32
    %eq3A_565 = vector.broadcast %eq3A_564 : i32 to vector<1x32xi32>
    %eq3A_566 = arith.cmpi eq, %iota3A_40, %eq3A_565 : vector<1x32xi32>
    %broadcast_in_dim3A_567 = vector.shape_cast %eq3A_566 : vector<1x32xi1> to vector<1x32xi1>
    %broadcast_in_dim3A_568 = vector.broadcast %broadcast_in_dim3A_567 : vector<1x32xi1> to vector<128x32xi1>
    %broadcast_in_dim3A_569 = vector.shape_cast %select_n3A_563 : vector<128x1xi32> to vector<128x1xi32>
    %broadcast_in_dim3A_570 = vector.broadcast %broadcast_in_dim3A_569 : vector<128x1xi32> to vector<128x32xi32>
    %select_n3A_571 = arith.select %broadcast_in_dim3A_568, %broadcast_in_dim3A_570, %select_n3A_551 : vector<128x32xi1>, vector<128x32xi32>
    %eq3A_572 = vector.broadcast %broadcast_in_dim3A_559 : vector<128x1xi32> to vector<128x8192xi32>
    %eq3A_573 = arith.cmpi eq, %select_n3A_556, %eq3A_572 : vector<128x8192xi32>
    %jit3A_574 = arith.constant 8192 : i32
    %broadcast_in_dim3A_575 = vector.broadcast %jit3A_574 : i32 to vector<128x8192xi32>
    %select_n3A_576 = arith.select %eq3A_573, %broadcast_in_dim3A_575, %select_n3A_556 : vector<128x8192xi1>, vector<128x8192xi32>
    %reduce_min3A_577 = arith.constant dense<2147483647> : vector<128xi32>
    %reduce_min3A_578 = vector.multi_reduction <minsi>, %select_n3A_576, %reduce_min3A_577 [1] : vector<128x8192xi32> to vector<128xi32>
    %broadcast_in_dim3A_579 = vector.shape_cast %reduce_min3A_578 : vector<128xi32> to vector<128x1xi32>
    %eq3A_580 = arith.constant 8192 : i32
    %eq3A_581 = vector.broadcast %eq3A_580 : i32 to vector<128x1xi32>
    %eq3A_582 = arith.cmpi eq, %broadcast_in_dim3A_579, %eq3A_581 : vector<128x1xi32>
    %select_n3A_583 = arith.select %eq3A_582, %broadcast_in_dim3A_44, %broadcast_in_dim3A_579 : vector<128x1xi1>, vector<128x1xi32>
    %eq3A_584 = arith.constant 27 : i32
    %eq3A_585 = vector.broadcast %eq3A_584 : i32 to vector<1x32xi32>
    %eq3A_586 = arith.cmpi eq, %iota3A_40, %eq3A_585 : vector<1x32xi32>
    %broadcast_in_dim3A_587 = vector.shape_cast %eq3A_586 : vector<1x32xi1> to vector<1x32xi1>
    %broadcast_in_dim3A_588 = vector.broadcast %broadcast_in_dim3A_587 : vector<1x32xi1> to vector<128x32xi1>
    %broadcast_in_dim3A_589 = vector.shape_cast %select_n3A_583 : vector<128x1xi32> to vector<128x1xi32>
    %broadcast_in_dim3A_590 = vector.broadcast %broadcast_in_dim3A_589 : vector<128x1xi32> to vector<128x32xi32>
    %select_n3A_591 = arith.select %broadcast_in_dim3A_588, %broadcast_in_dim3A_590, %select_n3A_571 : vector<128x32xi1>, vector<128x32xi32>
    %eq3A_592 = vector.broadcast %broadcast_in_dim3A_579 : vector<128x1xi32> to vector<128x8192xi32>
    %eq3A_593 = arith.cmpi eq, %select_n3A_576, %eq3A_592 : vector<128x8192xi32>
    %jit3A_594 = arith.constant 8192 : i32
    %broadcast_in_dim3A_595 = vector.broadcast %jit3A_594 : i32 to vector<128x8192xi32>
    %select_n3A_596 = arith.select %eq3A_593, %broadcast_in_dim3A_595, %select_n3A_576 : vector<128x8192xi1>, vector<128x8192xi32>
    %reduce_min3A_597 = arith.constant dense<2147483647> : vector<128xi32>
    %reduce_min3A_598 = vector.multi_reduction <minsi>, %select_n3A_596, %reduce_min3A_597 [1] : vector<128x8192xi32> to vector<128xi32>
    %broadcast_in_dim3A_599 = vector.shape_cast %reduce_min3A_598 : vector<128xi32> to vector<128x1xi32>
    %eq3A_600 = arith.constant 8192 : i32
    %eq3A_601 = vector.broadcast %eq3A_600 : i32 to vector<128x1xi32>
    %eq3A_602 = arith.cmpi eq, %broadcast_in_dim3A_599, %eq3A_601 : vector<128x1xi32>
    %select_n3A_603 = arith.select %eq3A_602, %broadcast_in_dim3A_44, %broadcast_in_dim3A_599 : vector<128x1xi1>, vector<128x1xi32>
    %eq3A_604 = arith.constant 28 : i32
    %eq3A_605 = vector.broadcast %eq3A_604 : i32 to vector<1x32xi32>
    %eq3A_606 = arith.cmpi eq, %iota3A_40, %eq3A_605 : vector<1x32xi32>
    %broadcast_in_dim3A_607 = vector.shape_cast %eq3A_606 : vector<1x32xi1> to vector<1x32xi1>
    %broadcast_in_dim3A_608 = vector.broadcast %broadcast_in_dim3A_607 : vector<1x32xi1> to vector<128x32xi1>
    %broadcast_in_dim3A_609 = vector.shape_cast %select_n3A_603 : vector<128x1xi32> to vector<128x1xi32>
    %broadcast_in_dim3A_610 = vector.broadcast %broadcast_in_dim3A_609 : vector<128x1xi32> to vector<128x32xi32>
    %select_n3A_611 = arith.select %broadcast_in_dim3A_608, %broadcast_in_dim3A_610, %select_n3A_591 : vector<128x32xi1>, vector<128x32xi32>
    %eq3A_612 = vector.broadcast %broadcast_in_dim3A_599 : vector<128x1xi32> to vector<128x8192xi32>
    %eq3A_613 = arith.cmpi eq, %select_n3A_596, %eq3A_612 : vector<128x8192xi32>
    %jit3A_614 = arith.constant 8192 : i32
    %broadcast_in_dim3A_615 = vector.broadcast %jit3A_614 : i32 to vector<128x8192xi32>
    %select_n3A_616 = arith.select %eq3A_613, %broadcast_in_dim3A_615, %select_n3A_596 : vector<128x8192xi1>, vector<128x8192xi32>
    %reduce_min3A_617 = arith.constant dense<2147483647> : vector<128xi32>
    %reduce_min3A_618 = vector.multi_reduction <minsi>, %select_n3A_616, %reduce_min3A_617 [1] : vector<128x8192xi32> to vector<128xi32>
    %broadcast_in_dim3A_619 = vector.shape_cast %reduce_min3A_618 : vector<128xi32> to vector<128x1xi32>
    %eq3A_620 = arith.constant 8192 : i32
    %eq3A_621 = vector.broadcast %eq3A_620 : i32 to vector<128x1xi32>
    %eq3A_622 = arith.cmpi eq, %broadcast_in_dim3A_619, %eq3A_621 : vector<128x1xi32>
    %select_n3A_623 = arith.select %eq3A_622, %broadcast_in_dim3A_44, %broadcast_in_dim3A_619 : vector<128x1xi1>, vector<128x1xi32>
    %eq3A_624 = arith.constant 29 : i32
    %eq3A_625 = vector.broadcast %eq3A_624 : i32 to vector<1x32xi32>
    %eq3A_626 = arith.cmpi eq, %iota3A_40, %eq3A_625 : vector<1x32xi32>
    %broadcast_in_dim3A_627 = vector.shape_cast %eq3A_626 : vector<1x32xi1> to vector<1x32xi1>
    %broadcast_in_dim3A_628 = vector.broadcast %broadcast_in_dim3A_627 : vector<1x32xi1> to vector<128x32xi1>
    %broadcast_in_dim3A_629 = vector.shape_cast %select_n3A_623 : vector<128x1xi32> to vector<128x1xi32>
    %broadcast_in_dim3A_630 = vector.broadcast %broadcast_in_dim3A_629 : vector<128x1xi32> to vector<128x32xi32>
    %select_n3A_631 = arith.select %broadcast_in_dim3A_628, %broadcast_in_dim3A_630, %select_n3A_611 : vector<128x32xi1>, vector<128x32xi32>
    %eq3A_632 = vector.broadcast %broadcast_in_dim3A_619 : vector<128x1xi32> to vector<128x8192xi32>
    %eq3A_633 = arith.cmpi eq, %select_n3A_616, %eq3A_632 : vector<128x8192xi32>
    %jit3A_634 = arith.constant 8192 : i32
    %broadcast_in_dim3A_635 = vector.broadcast %jit3A_634 : i32 to vector<128x8192xi32>
    %select_n3A_636 = arith.select %eq3A_633, %broadcast_in_dim3A_635, %select_n3A_616 : vector<128x8192xi1>, vector<128x8192xi32>
    %reduce_min3A_637 = arith.constant dense<2147483647> : vector<128xi32>
    %reduce_min3A_638 = vector.multi_reduction <minsi>, %select_n3A_636, %reduce_min3A_637 [1] : vector<128x8192xi32> to vector<128xi32>
    %broadcast_in_dim3A_639 = vector.shape_cast %reduce_min3A_638 : vector<128xi32> to vector<128x1xi32>
    %eq3A_640 = arith.constant 8192 : i32
    %eq3A_641 = vector.broadcast %eq3A_640 : i32 to vector<128x1xi32>
    %eq3A_642 = arith.cmpi eq, %broadcast_in_dim3A_639, %eq3A_641 : vector<128x1xi32>
    %select_n3A_643 = arith.select %eq3A_642, %broadcast_in_dim3A_44, %broadcast_in_dim3A_639 : vector<128x1xi1>, vector<128x1xi32>
    %eq3A_644 = arith.constant 30 : i32
    %eq3A_645 = vector.broadcast %eq3A_644 : i32 to vector<1x32xi32>
    %eq3A_646 = arith.cmpi eq, %iota3A_40, %eq3A_645 : vector<1x32xi32>
    %broadcast_in_dim3A_647 = vector.shape_cast %eq3A_646 : vector<1x32xi1> to vector<1x32xi1>
    %broadcast_in_dim3A_648 = vector.broadcast %broadcast_in_dim3A_647 : vector<1x32xi1> to vector<128x32xi1>
    %broadcast_in_dim3A_649 = vector.shape_cast %select_n3A_643 : vector<128x1xi32> to vector<128x1xi32>
    %broadcast_in_dim3A_650 = vector.broadcast %broadcast_in_dim3A_649 : vector<128x1xi32> to vector<128x32xi32>
    %select_n3A_651 = arith.select %broadcast_in_dim3A_648, %broadcast_in_dim3A_650, %select_n3A_631 : vector<128x32xi1>, vector<128x32xi32>
    %eq3A_652 = vector.broadcast %broadcast_in_dim3A_639 : vector<128x1xi32> to vector<128x8192xi32>
    %eq3A_653 = arith.cmpi eq, %select_n3A_636, %eq3A_652 : vector<128x8192xi32>
    %jit3A_654 = arith.constant 8192 : i32
    %broadcast_in_dim3A_655 = vector.broadcast %jit3A_654 : i32 to vector<128x8192xi32>
    %select_n3A_656 = arith.select %eq3A_653, %broadcast_in_dim3A_655, %select_n3A_636 : vector<128x8192xi1>, vector<128x8192xi32>
    %reduce_min3A_657 = arith.constant dense<2147483647> : vector<128xi32>
    %reduce_min3A_658 = vector.multi_reduction <minsi>, %select_n3A_656, %reduce_min3A_657 [1] : vector<128x8192xi32> to vector<128xi32>
    %broadcast_in_dim3A_659 = vector.shape_cast %reduce_min3A_658 : vector<128xi32> to vector<128x1xi32>
    %eq3A_660 = arith.constant 8192 : i32
    %eq3A_661 = vector.broadcast %eq3A_660 : i32 to vector<128x1xi32>
    %eq3A_662 = arith.cmpi eq, %broadcast_in_dim3A_659, %eq3A_661 : vector<128x1xi32>
    %select_n3A_663 = arith.select %eq3A_662, %broadcast_in_dim3A_44, %broadcast_in_dim3A_659 : vector<128x1xi1>, vector<128x1xi32>
    %eq3A_664 = arith.constant 31 : i32
    %eq3A_665 = vector.broadcast %eq3A_664 : i32 to vector<1x32xi32>
    %eq3A_666 = arith.cmpi eq, %iota3A_40, %eq3A_665 : vector<1x32xi32>
    %broadcast_in_dim3A_667 = vector.shape_cast %eq3A_666 : vector<1x32xi1> to vector<1x32xi1>
    %broadcast_in_dim3A_668 = vector.broadcast %broadcast_in_dim3A_667 : vector<1x32xi1> to vector<128x32xi1>
    %broadcast_in_dim3A_669 = vector.shape_cast %select_n3A_663 : vector<128x1xi32> to vector<128x1xi32>
    %broadcast_in_dim3A_670 = vector.broadcast %broadcast_in_dim3A_669 : vector<128x1xi32> to vector<128x32xi32>
    %select_n3A_671 = arith.select %broadcast_in_dim3A_668, %broadcast_in_dim3A_670, %select_n3A_651 : vector<128x32xi1>, vector<128x32xi32>
    %mul3A_672 = arith.constant 8192 : i32
    %mul3A_673 = arith.muli %select_n3A, %mul3A_672 : i32
    %add3A_674 = vector.broadcast %mul3A_673 : i32 to vector<128x32xi32>
    %add3A_675 = arith.addi %select_n3A_671, %add3A_674 : vector<128x32xi32>
    %swap3A = arith.constant 0 : index
    %swap3A_676 = arith.constant 0 : index
    %swap3A_677 = vector.load %arg3[%swap3A, %swap3A_676] : memref<128x32xi32, #tpu.memory_space<vmem>>, vector<128x32xi32>
    tpu.vector_store %arg3[%swap3A, %swap3A_676], %add3A_675 {strides = array<i32>} : memref<128x32xi32, #tpu.memory_space<vmem>>, vector<128x32xi32>,
    return
  }
  func.func @transform_0(%arg0: i32) -> (i32, i32) {
    %jit3A = arith.constant 8 : i32
    %div3A = arith.divsi %arg0, %jit3A : i32
    %sign3A = arith.constant 0 : i32
    %sign3A_0 = arith.cmpi sgt, %arg0, %sign3A : i32
    %sign3A_1 = arith.extui %sign3A_0 : i1 to i32
    %sign3A_2 = arith.constant 0 : i32
    %sign3A_3 = arith.cmpi slt, %arg0, %sign3A_2 : i32
    %sign3A_4 = arith.extui %sign3A_3 : i1 to i32
    %sign3A_5 = arith.subi %sign3A_1, %sign3A_4 : i32
    %sign3A_6 = arith.constant 0 : i32
    %sign3A_7 = arith.cmpi sgt, %jit3A, %sign3A_6 : i32
    %sign3A_8 = arith.extui %sign3A_7 : i1 to i32
    %sign3A_9 = arith.constant 0 : i32
    %sign3A_10 = arith.cmpi slt, %jit3A, %sign3A_9 : i32
    %sign3A_11 = arith.extui %sign3A_10 : i1 to i32
    %sign3A_12 = arith.subi %sign3A_8, %sign3A_11 : i32
    %ne3A = arith.cmpi ne, %sign3A_5, %sign3A_12 : i32
    %rem3A = arith.remsi %arg0, %jit3A : i32
    %ne3A_13 = arith.constant 0 : i32
    %ne3A_14 = arith.cmpi ne, %rem3A, %ne3A_13 : i32
    %and3A = arith.andi %ne3A, %ne3A_14 : i1
    %sub3A = arith.constant 1 : i32
    %sub3A_15 = arith.subi %div3A, %sub3A : i32
    %select_n3A = arith.select %and3A, %sub3A_15, %div3A : i32
    %c0_i32 = arith.constant 0 : i32
    %c0_i32_16 = arith.constant 0 : i32
    return %select_n3A, %c0_i32 : i32, i32
  }
  func.func @transform_1(%arg0: i32) -> (i32, i32) {
    %c0_i32 = arith.constant 0 : i32
    %c0_i32_0 = arith.constant 0 : i32
    return %arg0, %c0_i32 : i32, i32
  }
  func.func @transform_2(%arg0: i32) -> (i32, i32) {
    %c0_i32 = arith.constant 0 : i32
    %c0_i32_0 = arith.constant 0 : i32
    return %arg0, %c0_i32 : i32, i32
  }
}

module attributes {stable_mosaic.version = 14 : i64} {
  func.func @_mlp_body(%arg0: i32, %arg1: memref<4096x128xf32, #tpu.memory_space<vmem>>, %arg2: memref<128x8xf32, #tpu.memory_space<vmem>>, %arg3: memref<128x128xf32, #tpu.memory_space<vmem>>, %arg4: memref<1x128xf32, #tpu.memory_space<vmem>>, %arg5: memref<128x128xf32, #tpu.memory_space<vmem>>, %arg6: memref<1x128xf32, #tpu.memory_space<vmem>>, %arg7: memref<128x256xf32, #tpu.memory_space<vmem>>, %arg8: memref<1x256xf32, #tpu.memory_space<vmem>>, %arg9: memref<8x128xf32, #tpu.memory_space<vmem>>, %arg10: memref<128x256xf32, #tpu.memory_space<vmem>>) attributes {dimension_semantics = [#tpu.dimension_semantics<arbitrary>], iteration_bounds = array<i64: 32>, scalar_prefetch = 0 : i64, scratch_operands = 0 : i64, tpu.core_type = #tpu.core_type<tc>, window_params = [{transform_indices = @transform_0, window_bounds = array<i64: 4096, 128>}, {transform_indices = @transform_1, window_bounds = array<i64: 128, 8>}, {pipeline_mode = #tpu.pipeline_mode<synchronous>, transform_indices = @transform_2, window_bounds = array<i64: 128, 128>}, {pipeline_mode = #tpu.pipeline_mode<synchronous>, transform_indices = @transform_3, window_bounds = array<i64: 1, 128>}, {pipeline_mode = #tpu.pipeline_mode<synchronous>, transform_indices = @transform_4, window_bounds = array<i64: 128, 128>}, {pipeline_mode = #tpu.pipeline_mode<synchronous>, transform_indices = @transform_5, window_bounds = array<i64: 1, 128>}, {pipeline_mode = #tpu.pipeline_mode<synchronous>, transform_indices = @transform_6, window_bounds = array<i64: 128, 256>}, {pipeline_mode = #tpu.pipeline_mode<synchronous>, transform_indices = @transform_7, window_bounds = array<i64: 1, 256>}, {pipeline_mode = #tpu.pipeline_mode<synchronous>, transform_indices = @transform_8, window_bounds = array<i64: 8, 128>}, {transform_indices = @transform_9, window_bounds = array<i64: 128, 256>}]} {
    %get3A = arith.constant 0 : index
    %get3A_0 = arith.constant 0 : index
    %get3A_1 = vector.load %arg1[%get3A, %get3A_0] : memref<4096x128xf32, #tpu.memory_space<vmem>>, vector<4096x128xf32>
    %get3A_2 = arith.constant 0 : index
    %get3A_3 = arith.constant 0 : index
    %get3A_4 = vector.load %arg3[%get3A_2, %get3A_3] : memref<128x128xf32, #tpu.memory_space<vmem>>, vector<128x128xf32>
    %dot_general3A = arith.constant dense<0.000000e+00> : vector<4096x128xf32>
    %dot_general3A_5 = tpu.matmul %get3A_1, %get3A_4, %dot_general3A {dimension_numbers = #tpu.dot_dimension_numbers<[1], [0], [0], [1], [0, 0, 1, 1], [], []>, transpose_lhs_hint = false} : vector<4096x128xf32>, vector<128x128xf32>, vector<4096x128xf32> -> vector<4096x128xf32>
    %get3A_6 = arith.constant 0 : index
    %get3A_7 = arith.constant 0 : index
    %get3A_8 = vector.load %arg4[%get3A_6, %get3A_7] : memref<1x128xf32, #tpu.memory_space<vmem>>, vector<1x128xf32>
    %add3A = vector.broadcast %get3A_8 : vector<1x128xf32> to vector<4096x128xf32>
    %add3A_9 = arith.addf %dot_general3A_5, %add3A : vector<4096x128xf32>
    %get3A_10 = arith.constant 0 : index
    %get3A_11 = arith.constant 0 : index
    %get3A_12 = vector.load %arg2[%get3A_10, %get3A_11] : memref<128x8xf32, #tpu.memory_space<vmem>>, vector<128x8xf32>
    %get3A_13 = arith.constant 0 : index
    %get3A_14 = arith.constant 0 : index
    %get3A_15 = vector.load %arg9[%get3A_13, %get3A_14] : memref<8x128xf32, #tpu.memory_space<vmem>>, vector<8x128xf32>
    %dot_general3A_16 = arith.constant dense<0.000000e+00> : vector<128x128xf32>
    %dot_general3A_17 = tpu.matmul %get3A_12, %get3A_15, %dot_general3A_16 {dimension_numbers = #tpu.dot_dimension_numbers<[1], [0], [0], [1], [0, 0, 1, 1], [], []>, transpose_lhs_hint = false} : vector<128x8xf32>, vector<8x128xf32>, vector<128x128xf32> -> vector<128x128xf32>
    %reshape3A = vector.shape_cast %add3A_9 : vector<4096x128xf32> to vector<128x32x128xf32>
    %broadcast_in_dim3A = vector.shape_cast %dot_general3A_17 : vector<128x128xf32> to vector<128x1x128xf32>
    %sub3A = vector.broadcast %broadcast_in_dim3A : vector<128x1x128xf32> to vector<128x32x128xf32>
    %sub3A_18 = arith.subf %reshape3A, %sub3A : vector<128x32x128xf32>
    %max3A = arith.constant 0.000000e+00 : f32
    %max3A_19 = vector.broadcast %max3A : f32 to vector<128x32x128xf32>
    %max3A_20 = arith.maximumf %sub3A_18, %max3A_19 : vector<128x32x128xf32>
    %reshape3A_21 = vector.shape_cast %max3A_20 : vector<128x32x128xf32> to vector<4096x128xf32>
    %get3A_22 = arith.constant 0 : index
    %get3A_23 = arith.constant 0 : index
    %get3A_24 = vector.load %arg5[%get3A_22, %get3A_23] : memref<128x128xf32, #tpu.memory_space<vmem>>, vector<128x128xf32>
    %dot_general3A_25 = arith.constant dense<0.000000e+00> : vector<4096x128xf32>
    %dot_general3A_26 = tpu.matmul %reshape3A_21, %get3A_24, %dot_general3A_25 {dimension_numbers = #tpu.dot_dimension_numbers<[1], [0], [0], [1], [0, 0, 1, 1], [], []>, transpose_lhs_hint = false} : vector<4096x128xf32>, vector<128x128xf32>, vector<4096x128xf32> -> vector<4096x128xf32>
    %get3A_27 = arith.constant 0 : index
    %get3A_28 = arith.constant 0 : index
    %get3A_29 = vector.load %arg6[%get3A_27, %get3A_28] : memref<1x128xf32, #tpu.memory_space<vmem>>, vector<1x128xf32>
    %add3A_30 = vector.broadcast %get3A_29 : vector<1x128xf32> to vector<4096x128xf32>
    %add3A_31 = arith.addf %dot_general3A_26, %add3A_30 : vector<4096x128xf32>
    %max3A_32 = arith.constant 0.000000e+00 : f32
    %max3A_33 = vector.broadcast %max3A_32 : f32 to vector<4096x128xf32>
    %max3A_34 = arith.maximumf %add3A_31, %max3A_33 : vector<4096x128xf32>
    %get3A_35 = arith.constant 0 : index
    %get3A_36 = arith.constant 0 : index
    %get3A_37 = vector.load %arg7[%get3A_35, %get3A_36] : memref<128x256xf32, #tpu.memory_space<vmem>>, vector<128x256xf32>
    %dot_general3A_38 = arith.constant dense<0.000000e+00> : vector<4096x256xf32>
    %dot_general3A_39 = tpu.matmul %max3A_34, %get3A_37, %dot_general3A_38 {dimension_numbers = #tpu.dot_dimension_numbers<[1], [0], [0], [1], [0, 0, 1, 1], [], []>, transpose_lhs_hint = false} : vector<4096x128xf32>, vector<128x256xf32>, vector<4096x256xf32> -> vector<4096x256xf32>
    %get3A_40 = arith.constant 0 : index
    %get3A_41 = arith.constant 0 : index
    %get3A_42 = vector.load %arg8[%get3A_40, %get3A_41] : memref<1x256xf32, #tpu.memory_space<vmem>>, vector<1x256xf32>
    %add3A_43 = vector.broadcast %get3A_42 : vector<1x256xf32> to vector<4096x256xf32>
    %add3A_44 = arith.addf %dot_general3A_39, %add3A_43 : vector<4096x256xf32>
    %max3A_45 = arith.constant 0.000000e+00 : f32
    %max3A_46 = vector.broadcast %max3A_45 : f32 to vector<4096x256xf32>
    %max3A_47 = arith.maximumf %add3A_44, %max3A_46 : vector<4096x256xf32>
    %reshape3A_48 = vector.shape_cast %max3A_47 : vector<4096x256xf32> to vector<128x32x256xf32>
    %reduce_max3A = arith.constant dense<0xFF800000> : vector<128x256xf32>
    %reduce_max3A_49 = vector.multi_reduction <maximumf>, %reshape3A_48, %reduce_max3A [1] : vector<128x32x256xf32> to vector<128x256xf32>
    %swap3A = arith.constant 0 : index
    %swap3A_50 = arith.constant 0 : index
    %swap3A_51 = vector.load %arg10[%swap3A, %swap3A_50] : memref<128x256xf32, #tpu.memory_space<vmem>>, vector<128x256xf32>
    tpu.vector_store %arg10[%swap3A, %swap3A_50], %reduce_max3A_49 {strides = array<i32>} : memref<128x256xf32, #tpu.memory_space<vmem>>, vector<128x256xf32>,
    return
  }
  func.func @transform_0(%arg0: i32) -> (i32, i32) {
    %c0_i32 = arith.constant 0 : i32
    %c0_i32_0 = arith.constant 0 : i32
    return %arg0, %c0_i32 : i32, i32
  }
  func.func @transform_1(%arg0: i32) -> (i32, i32) {
    %c0_i32 = arith.constant 0 : i32
    %c0_i32_0 = arith.constant 0 : i32
    return %arg0, %c0_i32 : i32, i32
  }
  func.func @transform_2(%arg0: i32) -> (i32, i32) {
    %c0_i32 = arith.constant 0 : i32
    %c0_i32_0 = arith.constant 0 : i32
    %c0_i32_1 = arith.constant 0 : i32
    return %c0_i32, %c0_i32_0 : i32, i32
  }
  func.func @transform_3(%arg0: i32) -> (i32, i32) {
    %c0_i32 = arith.constant 0 : i32
    %c0_i32_0 = arith.constant 0 : i32
    %c0_i32_1 = arith.constant 0 : i32
    return %c0_i32, %c0_i32_0 : i32, i32
  }
  func.func @transform_4(%arg0: i32) -> (i32, i32) {
    %c0_i32 = arith.constant 0 : i32
    %c0_i32_0 = arith.constant 0 : i32
    %c0_i32_1 = arith.constant 0 : i32
    return %c0_i32, %c0_i32_0 : i32, i32
  }
  func.func @transform_5(%arg0: i32) -> (i32, i32) {
    %c0_i32 = arith.constant 0 : i32
    %c0_i32_0 = arith.constant 0 : i32
    %c0_i32_1 = arith.constant 0 : i32
    return %c0_i32, %c0_i32_0 : i32, i32
  }
  func.func @transform_6(%arg0: i32) -> (i32, i32) {
    %c0_i32 = arith.constant 0 : i32
    %c0_i32_0 = arith.constant 0 : i32
    %c0_i32_1 = arith.constant 0 : i32
    return %c0_i32, %c0_i32_0 : i32, i32
  }
  func.func @transform_7(%arg0: i32) -> (i32, i32) {
    %c0_i32 = arith.constant 0 : i32
    %c0_i32_0 = arith.constant 0 : i32
    %c0_i32_1 = arith.constant 0 : i32
    return %c0_i32, %c0_i32_0 : i32, i32
  }
  func.func @transform_8(%arg0: i32) -> (i32, i32) {
    %c0_i32 = arith.constant 0 : i32
    %c0_i32_0 = arith.constant 0 : i32
    %c0_i32_1 = arith.constant 0 : i32
    return %c0_i32, %c0_i32_0 : i32, i32
  }
  func.func @transform_9(%arg0: i32) -> (i32, i32) {
    %c0_i32 = arith.constant 0 : i32
    %c0_i32_0 = arith.constant 0 : i32
    return %arg0, %c0_i32 : i32, i32
  }
}

</mosaic_0001>

<sc_bundles>
// kernel: kernel.6.cloned.1.call-start
scs
__scs_entry_jumppad:
0x0: {  	(pc) =	sbr.rel $0x88, $3  }
0x1: {  	(tag) =	ssettag $0x0;
	lr =	simm.s32 $0x1  }
0x2: {  	[smem:$0x3F99] =	sst lr;
	_ =	strace $0xD0000000  }
0x3: {  	_ = 	snop  }
0x4: {  	_ = 	snop  }
0x5: {  	_ = 	snop  }
0x6: {  	_ = 	snop  }
0x7: {  	_ = 	snop  }
__scs_overlays_trampoline_lowered:
0x8: {  	[smem:$0x3FA8] =	sst s0  }
0x9: {  	[smem:$0x3FA9] =	sst s1  }
0xa: {  	[smem:$0x3FAA] =	sst s2  }
0xb: {  	[smem:$0x3FAB] =	sst s3  }
0xc: {  	[smem:$0x3FAC] =	sst s4  }
0xd: {  	[smem:$0x3FAD] =	sst s5  }
0xe: {  	[smem:$0x3FAE] =	sst s6  }
0xf: {  	[smem:$0x3FAF] =	sst s7  }
0x10: {  	[smem:$0x3FB0] =	sst s8  }
0x11: {  	[smem:$0x3FB1] =	sst s9;
	s0 =	simm.s32 @!p0 $0x0  }
0x12: {  	s1 =	sld [smem:$0x3F97];
	s0 =	simm.s32 @p0 $0x1  }
0x13: {  	[smem:$0x3FB2] =	sst s0;
	s0 =	simm.s32 @!p1 $0x0  }
0x14: {  	s2 =	sld [smem:$0x3F96];
	s0 =	simm.s32 @p1 $0x1  }
0x15: {  	[smem:$0x3FB3] =	sst s0;
	s0 =	simm.s32 @!p2 $0x0  }
0x16: {  	s3 =	sld [smem:$0x3FDB];
	s0 =	simm.s32 @p2 $0x1  }
0x17: {  	s4 =	simm.s32 $0x1BF5;
	[smem:$0x3FB5] =	sst s0  }
0x18: {  	s0 =	sld [smem:$0x3F98];
	_ =	swait.ge [sflag:s4], $0x0  }
0x19: {  	s7 =	sld [smem:$0x3F99]  }
0x1a: {  	s8 =	sadd.s32 $0xFFFFE003, lr  }
0x1b: {  	s9 =	sadd.s32 $0xFFFFFEF7, lr;
	s5 =	simm.s32 $0xFFFFFFFF;
	p2 =	slt.u32 s8, $0xFFFFF086  }
0x1c: {  	p1 =	slt.u32 s9, $0xF7A;
	s5 =	simm.s32 @!p2 $0x0  }
0x1d: {  	s5 =	simm.s32 @p1 $0x1;
	p0 =	seq.s32 s7, s2  }
0x1e: {  	s7 =	smul.u32 @!p0 $0xF7A, s2;
	p2 =	seq.s32 @!p0 s5, $0x0  }
0x1f: {  	s9 =	smul.u32 $0xF7A, s1;
	s8 =	simm.s32 @!p0 $0x1BF5;
	p2 =	por !p2, p0  }
0x20: {  	[sflag:s8] =	ssyncset.s32 @!p0 $0xFFFFF086;
	s6 =	sadd.s32 @!p0 s3, s7;
	s7 =	simm.s32 @!p0 $0x108  }
0x21: {  	s3 =	sadd.s32 s3, s9;
	s6 =	sadd.s32 @!p0 $0x88, s6;
	s7 =	simm.s32 @p2 $0x1082  }
0x22: {  	[simem:s7], [sflag:s8] =	dma.local @!p0 [hbm:s6], $0xF7A  }
0x23: {  	s9 =	sor.u32 $0xD0000000, s2;
	s6 =	simm.s32 $0x108;
	_ =	swait.ge @!p0 [sflag:s8], $0x0  }
0x24: {  	s3 =	sadd.s32 $0x88, s3;
	s6 =	simm.s32 @!p1 $0x1082;
	[sflag:s4] =	ssyncset.s32 $0xFFFFF086  }
0x25: {  	[simem:s6], [sflag:s4] =	dma.local [hbm:s3], $0xF7A  }
0x26: {  	[smem:$0x3F99] =	sst s1;
	(tag) =	ssettag s2;
	_ =	strace s9  }
0x27: {  	s1 =	sld [smem:$0x3FA9]  }
0x28: {  	s2 =	sld [smem:$0x3FAA]  }
0x29: {  	s4 =	sld [smem:$0x3FAC]  }
0x2a: {  	p0 =	seq.s32 s5, $0x0;
	s5 =	sld [smem:$0x3FAD]  }
0x2b: {  	s6 =	sld [smem:$0x3FAE]  }
0x2c: {  	s7 =	sld [smem:$0x3FAF]  }
0x2d: {  	s3 =	simm.s32 $0x108;
	s8 =	sld [smem:$0x3FB0]  }
0x2e: {  	s3 =	simm.s32 @!p0 $0x1082;
	s9 =	sld [smem:$0x3FB1]  }
0x2f: {  	lr =	sadd.s32 s0, s3;
	s0 =	sld [smem:$0x3FA8]  }
0x30: {  	s3 =	sld [smem:$0x3FAB]  }
0x31: {  	[smem:$0x3FB4] =	sst s10  }
0x32: {  	s10 =	sld [smem:$0x3FB2];
	_ =	sdelay $0x3  }
0x33: {  	p0 =	seq.s32 s10, $0x1;
	s10 =	sld [smem:$0x3FB4];
	_ =	sdelay $0x3  }
0x34: {  	[smem:$0x3FB4] =	sst s10  }
0x35: {  	s10 =	sld [smem:$0x3FB3];
	_ =	sdelay $0x3  }
0x36: {  	p1 =	seq.s32 s10, $0x1;
	s10 =	sld [smem:$0x3FB4];
	_ =	sdelay $0x3  }
0x37: {  	[smem:$0x3FB4] =	sst s10  }
0x38: {  	s10 =	sld [smem:$0x3FB5]  }
0x39: {  	_ = 	snop;
	(pc) =	sbr.ind lr, $3  }
0x3a: {  	_ = 	snop  }
0x3b: {  	_ = 	snop  }
0x3c: {  	p2 =	seq.s32 s10, $0x1;
	s10 =	sld [smem:$0x3FB4]  }
0x3d: {  	_ =	shalt  }
0x3e: {  	_ =	shalt  }
0x3f: {  	_ =	shalt  }
0x40: {  	_ =	shalt  }
0x41: {  	_ =	shalt  }
0x42: {  	_ =	shalt  }
0x43: {  	_ =	shalt  }
0x44: {  	_ =	shalt  }
0x45: {  	_ =	shalt  }
0x46: {  	_ =	shalt  }
0x47: {  	_ =	shalt  }
0x48: {  	_ =	shalt  }
0x49: {  	_ =	shalt  }
0x4a: {  	_ =	shalt  }
0x4b: {  	_ =	shalt  }
0x4c: {  	_ =	shalt  }
0x4d: {  	_ =	shalt  }
0x4e: {  	_ =	shalt  }
0x4f: {  	_ =	shalt  }
0x50: {  	_ =	shalt  }
0x51: {  	_ =	shalt  }
0x52: {  	_ =	shalt  }
0x53: {  	_ =	shalt  }
0x54: {  	_ =	shalt  }
0x55: {  	_ =	shalt  }
0x56: {  	_ =	shalt  }
0x57: {  	_ =	shalt  }
0x58: {  	_ =	shalt  }
0x59: {  	_ =	shalt  }
0x5a: {  	_ =	shalt  }
0x5b: {  	_ =	shalt  }
0x5c: {  	_ =	shalt  }
0x5d: {  	_ =	shalt  }
0x5e: {  	_ =	shalt  }
0x5f: {  	_ =	shalt  }
0x60: {  	_ =	shalt  }
0x61: {  	_ =	shalt  }
0x62: {  	_ =	shalt  }
0x63: {  	_ =	shalt  }
0x64: {  	_ =	shalt  }
0x65: {  	_ =	shalt  }
0x66: {  	_ =	shalt  }
0x67: {  	_ =	shalt  }
0x68: {  	_ =	shalt  }
0x69: {  	_ =	shalt  }
0x6a: {  	_ =	shalt  }
0x6b: {  	_ =	shalt  }
0x6c: {  	_ =	shalt  }
0x6d: {  	_ =	shalt  }
0x6e: {  	_ =	shalt  }
0x6f: {  	_ =	shalt  }
0x70: {  	_ =	shalt  }
0x71: {  	_ =	shalt  }
0x72: {  	_ =	shalt  }
0x73: {  	_ =	shalt  }
0x74: {  	_ =	shalt  }
0x75: {  	_ =	shalt  }
0x76: {  	_ =	shalt  }
0x77: {  	_ =	shalt  }
0x78: {  	_ =	shalt  }
0x79: {  	_ =	shalt  }
0x7a: {  	_ =	shalt  }
0x7b: {  	_ =	shalt  }
0x7c: {  	_ =	shalt  }
0x7d: {  	_ =	shalt  }
0x7e: {  	_ =	shalt  }
0x7f: {  	_ =	shalt  }
0x80: {  	_ =	shalt  }
0x81: {  	_ =	shalt  }
0x82: {  	_ =	shalt  }
0x83: {  	_ =	shalt  }
0x84: {  	_ =	shalt  }
0x85: {  	_ =	shalt  }
0x86: {  	_ =	shalt  }
0x87: {  	_ =	shalt  }
.Lfunc_end0:
.L_simem_size_0:
called_computation_lowered:
.L_overlay_start_0:
0x88: {  	s2 =	sld [smem:$0x3FD9]  }
0x89: {  	s3 =	sld [smem:$0x3FFE];
	_ =	sdelay $0x1  }
0x8a: {  	s1 =	srdreg.scid  }
0x8b: {  	s0 =	sand.u32 $0x1, s1  }
0x8c: {  	s14 =	sshll.u32 s0, $0xA;
	s2 =	sadd.s32 s3, s2  }
0x8d: {  	s2 =	sadd.s32 s2, s14  }
0x8e: {  	[smem:$0x3FC0] =	sst s2  }
0x8f: {  	_ = 	snop  }
0x90: {  	s2 =	sld [smem:$0x3FD0];
	_ =	sdelay $0x2  }
0x91: {  	s15 =	simm.s32 $0xA;
	s4 =	simm.s32 $0x10  }
0x92: {  	[smem:s4], [sflag:s15] =	dma.local [hbm:s2], $0x1  }
0x93: {  	_ =	swait.eq [sflag:s15], $0x1  }
0x94: {  	[sflag:s15] =	ssyncset.done $0x0  }
0x95: {  	[sflag:s15] =	ssyncadd.s32 $0xFFFFFFFF  }
0x96: {  	s16 =	sld [smem:$0x11];
	(tm) =	ssettm $0x1  }
0x97: {  	s17 =	sld [smem:$0x3FFB];
	_ =	sdelay $0x3  }
0x98: {  	_ =	strace s17  }
0x99: {  	s3 =	sld [smem:$0x3FFC];
	_ =	sdelay $0x3  }
0x9a: {  	_ =	strace s3  }
0x9b: {  	s3 =	sld [smem:$0x3FFD];
	_ =	sdelay $0x3  }
0x9c: {  	_ =	strace s3  }
0x9d: {  	_ =	strace $0x8FFFFFFF  }
0x9e: {  	s18 =	sld [smem:$0x3FDB];
	_ =	sdelay $0x1  }
0x9f: {  	s19 =	simm.s32 $_scs_section_size  }
0xa0: {  	s5 =	simm.s32 $_size__tile_overlayer_lowered;
	s6 =	simm.s32 $_tile_overlayer_lowered  }
0xa1: {  	s22 =	simm.s32 $0x1BFF;
	s21 =	sshll.u32 s6, $0x1;
	s3 =	sadd.s32 s19, s18  }
0xa2: {  	s7 =	simm.s32 $0x0;
	s20 =	sshll.u32 s5, $0x1;
	s5 =	sadd.s32 s21, s3  }
0xa3: {  	[timem:s7], [sflag:s22] =	dma.local [hbm:s5], s20  }
0xa4: {  	_ =	swait.ge [sflag:s22], s20  }
0xa5: {  	s4 =	ssub.s32 $0x0, s20;
	[sflag:s22] =	ssyncset.done $0x0  }
0xa6: {  	[sflag:s22] =	ssyncadd.s32 s4;
	_ =	sdelay $0x1  }
0xa7: {  	s23 =	simm.s32 $0x1B8B  }
0xa8: {  	_ =	swait.ge [sflag:s23], $0x1  }
0xa9: {  	[sflag:s23] =	ssyncset.done $0x0  }
0xaa: {  	s25 =	simm.s32 $0x1B8E;
	s24 =	sld [smem:$0x3FFE];
	[sflag:s23] =	ssyncadd.s32 $0xFFFFFFFF  }
0xab: {  	s26 =	simm.s32 $execute0_lowered;
	[smem:$0x3FD2] =	sst s25  }
0xac: {  	s5 =	sshll.u32 s26, $0x1;
	_ =	strace $0x80000046;
	[dreg:$0x1] =	wrdreg $0xFFFFFFFF  }
0xad: {  	s28 =	simm.s32 $_size_execute0_lowered;
	s3 =	sadd.s32 s3, s5;
	[dreg:$0x0] =	wrdreg $0x0  }
0xae: {  	s5 =	sshll.u32 s28, $0x1;
	[dreg:$0x2] =	wrdreg s3  }
0xaf: {  	[dreg:$0x3] =	wrdreg s5  }
0xb0: {  	[dreg:$0x4] =	wrdreg $0xC0  }
0xb1: {  	_ =	task [dreg:s7], $0x5FFFF  }
0xb2: {  	[dreg:$0x1] =	wrdreg $0xFFFFFFFF  }
0xb3: {  	[dreg:$0x0] =	wrdreg $0x60  }
0xb4: {  	[dreg:$0x2] =	wrdreg s24  }
0xb5: {  	[dreg:$0x3] =	wrdreg s16  }
0xb6: {  	[dreg:$0x4] =	wrdreg $0x9  }
0xb7: {  	_ =	task.clear_ibuf [dreg:s7], $0x5FFFF;
	_ =	strace $0x90000046  }
0xb8: {  	s29 =	simm.s32 $0x9;
	_ =	strace $0x80000048  }
0xb9: {  	_ =	swait.ge [sflag:s29], $0x1  }
0xba: {  	[sflag:s29] =	ssyncadd.s32 $0xFFFFFFFF  }
0xbb: {  	_ =	strace $0x90000048  }
0xbc: {  	_ =	sfence  }
0xbd: {  	s30 =	sld [smem:$0x0];
	_ =	sdelay $0x2  }
0xbe: {  	s31 =	sshll.u32 s1, $0xD;
	s1 =	sshrl.u32 s1, $0x2  }
0xbf: {  	s3 =	sand.u32 $0x4000, s31;
	s1 =	sadd.s32 s1, s30  }
0xc0: {  	s0 =	sor.u32 s3, s0;
	s1 =	sshll.u32 s1, $0x11  }
0xc1: {  	s0 =	sor.u32 s1, s0  }
0xc2: {  	s0 =	sadd.s32 $0x8F2B, s0  }
0xc3: {  	[sflag:s0] =	ssyncadd.remote.s32 $0x1  }
0xc4: {  	_ =	sfence.sel $0xFFFF  }
0xc5: {  	[dreg:$0x0] =	wrdreg $0xFFFFFFFF;
	(pc) =	sbr.abs _section_cstart, $3  }
0xc6: {  	[dreg:$0x1] =	wrdreg $0xFFFFFFFF  }
0xc7: {  	_ =	task.clear_ibuf [dreg:s7], $0x2FFFF;
	_ =	strace $0x9FFFFFFF  }
0xc8: {  	(tm) =	ssettm $0x7FFFFFFF  }
0xc9: {  	_ =	shalt  }
tec
execute0_lowered:
.L_overlay_start_1:
0x0: {  	(tag) =	ssettag $0x1  }
0x1: {  	s4 =	rddreg [dreg:$0x0]  }
0x2: {  	s6 =	rddreg [dreg:$0x1]  }
0x3: {  	s0 =	rddreg [dreg:$0x2];
	s2 =	simm.s32 $0x0;
	s1 =	stileid.u32  }
0x4: {  	s3 =	srdreg.scid;
	[smem:$0x7FF] =	sst s2  }
0x5: {  	s5 =	sshll.u32 s1, $0x11;
	s7 =	sand.u32 $0x1, s3;
	s3 =	sadd.s32 $0x1600, s4  }
0x6: {  	s9 =	sshll.u32 s1, $0xD;
	_ =	strace $0x80000047;
	s5 =	sadd.s32 s5, s4  }
0x7: {  	s29 =	ssub.s32 $0x2, s7;
	s10 =	sshll.u32 s7, $0xC;
	s7 =	sshll.u32 s7, $0x10  }
0x8: {  	s8 =	sshrl.u32 s29, $0x1;
	s30 =	sor.u32 s10, s9;
	s5 =	sadd.s32 s7, s5  }
0x9: {  	s7 =	simm.s32 $0x2;
	s9 =	simm.s32 $0x1;
	s10 =	simm.s32 $0x0  }
0xa: {  	s4 =	ssub.s32 s29, s8;
	s31 =	sshrl.u32 s30, $0x3;
	s5 =	sadd.s32 $0x81600, s5  }
0xb: {  	s8 =	simm.s32 $0x200;
	s4 =	smax.u32 s4, $0x1;
	s6 =	sadd.s32 s31, s6  }
.LBB2_1:
0xc: {  	s11 =	sadd.s32 $0x0, s6  }
0xd: {  	[tilespmem:s2], [sflag:$0x2] =	stream.linear.gather [hbm4b:s11+s2], $0x200, $0x38;
	[tilespmem:$0x10200] =	vst v63  }
0xe: {  	_ =	swait.ge [sflag:s7], $0x200  }
0xf: {  	[sflag:s7] =	ssyncset.done $0x0  }
0x10: {  	[sflag:s7] =	ssyncadd.s32 $0xFFFFFE00  }
0x11: {  	[tilespmem:s8], [sflag:$0x1] =	stream.indirect.gather [hbm4b:s3+s8], $0x80, s2, s8, $0xb8;
	[tilespmem:$0x10200] =	vst v63  }
0x12: {  	_ =	swait.ge [sflag:s9], $0x10000  }
0x13: {  	[sflag:s9] =	ssyncset.done $0x0  }
0x14: {  	[sflag:s9] =	ssyncadd.s32 $0xFFFF0000  }
0x15: {  	[hbm4b:s5+s2] =	stream.linear.scatter [tilespmem:s8], [sflag:$0x2], $0x10000, $0x38;
	[tilespmem:$0x10200] =	vst v63  }
0x16: {  	s12 =	simm.s32 $0x40;
	_ =	swait.ge [sflag:s7], $0x10000  }
0x17: {  	s13 =	simm.s32 $0x80;
	s11 =	sadd.s32 $0x2000, s5;
	[sflag:s7] =	ssyncset.done $0x0  }
.LBB2_2:
0x18: {  	s14 =	sadd.s32 s12, s6  }
0x19: {  	[sflag:s7] =	ssyncadd.s32 $0xFFFF0000;
	s12 =	smov.u32 s13;
	s15 =	sadd.s32 $0x40, s13  }
0x1a: {  	[tilespmem:s2], [sflag:$0x2] =	stream.linear.gather [hbm4b:s14+s2], $0x200, $0x38;
	[tilespmem:$0x10200] =	vst v63  }
0x1b: {  	p0 =	sne.s32 s13, $0x1C0;
	_ =	swait.ge [sflag:s7], $0x200  }
0x1c: {  	[sflag:s7] =	ssyncset.done $0x0  }
0x1d: {  	[sflag:s7] =	ssyncadd.s32 $0xFFFFFE00  }
0x1e: {  	[tilespmem:s8], [sflag:$0x1] =	stream.indirect.gather [hbm4b:s3+s8], $0x80, s2, s8, $0xb8;
	[tilespmem:$0x10200] =	vst v63  }
0x1f: {  	_ =	swait.ge [sflag:s9], $0x10000  }
.Ltmp0:
0x20: {  	[sflag:s9] =	ssyncset.done $0x0;
	(pc) =	sbr.rel @p0 .LBB2_2-.Ltmp0, $4  }
0x21: {  	[sflag:s9] =	ssyncadd.s32 $0xFFFF0000  }
0x22: {  	[hbm4b:s11+s2] =	stream.linear.scatter [tilespmem:s8], [sflag:$0x2], $0x10000, $0x38;
	[tilespmem:$0x10200] =	vst v63  }
0x23: {  	_ =	swait.ge [sflag:s7], $0x10000  }
0x24: {  	s13 =	smov.u32 s15;
	s11 =	sadd.s32 $0x2000, s11;
	[sflag:s7] =	ssyncset.done $0x0  }
0x25: {  	s12 =	sadd.s32 s12, s6;
	[sflag:s7] =	ssyncadd.s32 $0xFFFF0000  }
0x26: {  	[tilespmem:s2], [sflag:$0x2] =	stream.linear.gather [hbm4b:s12+s2], $0x200, $0x38;
	[tilespmem:$0x10200] =	vst v63  }
0x27: {  	_ =	swait.ge [sflag:s7], $0x200  }
0x28: {  	[sflag:s7] =	ssyncset.done $0x0  }
0x29: {  	[sflag:s7] =	ssyncadd.s32 $0xFFFFFE00  }
0x2a: {  	[tilespmem:s8], [sflag:$0x1] =	stream.indirect.gather [hbm4b:s3+s8], $0x80, s2, s8, $0xb8;
	[tilespmem:$0x10200] =	vst v63  }
0x2b: {  	s10 =	sadd.s32 $0x1, s10;
	_ =	swait.ge [sflag:s9], $0x10000  }
0x2c: {  	p0 =	sne.s32 s10, s4;
	[sflag:s9] =	ssyncset.done $0x0  }
.Ltmp1:
0x2d: {  	[sflag:s9] =	ssyncadd.s32 $0xFFFF0000;
	(pc) =	sbr.rel @p0 .LBB2_1-.Ltmp1, $4  }
0x2e: {  	[hbm4b:s11+s2] =	stream.linear.scatter [tilespmem:s8], [sflag:$0x2], $0x10000, $0x38;
	[tilespmem:$0x10200] =	vst v63  }
0x2f: {  	_ =	swait.ge [sflag:s7], $0x10000  }
0x30: {  	[sflag:s7] =	ssyncset.done $0x0  }
0x31: {  	[sflag:s7] =	ssyncadd.s32 $0xFFFF0000  }
0x32: {  	_ =	sfence.sel $0x180000  }
0x33: {  	[bflag:$0x0] =	sbarrier.arrive $0xFFFF  }
0x34: {  	p0 =	sne.s32 s1, $0x0;
	_ =	strace $0x90000047  }
0x35: {  	s0 =	sadd.s32 @!p0 $0x100000, s0;
	[bflag:$0x2] =	sbarrier.arrive $0xFFFF  }
0x36: {  	[sflag:s0] =	ssyncadd.tile.s32 @!p0 $0x1;
	_ =	shalt  }
.Lfunc_end2:
_tile_overlayer_lowered:
.L_overlay_start_2:
0x37: {  	(tag) =	ssettag $0x2  }
0x38: {  	s0 =	rddreg [dreg:$0x0];
	s2 =	stileid.u32  }
0x39: {  	s1 =	rddreg [dreg:$0x1];
	p0 =	sne.s32 s2, $0x0  }
0x3a: {  	s3 =	rddreg [dreg:$0x2];
	[bflag:$0x3] =	sbarrier.arrive $0xFFFF;
	s2 =	simm.s32 @!p0 $0x1C02  }
0x3b: {  	[timem:s3], [sflag:s2] =	dma.local @!p0 [hbm:s0], s1  }
0x3c: {  	s0 =	simm.s32 @!p0 $0x2  }
0x3d: {  	_ =	swait.ge @!p0 [sflag:s0], s1  }
0x3e: {  	s1 =	ssub.s32 @!p0 $0x0, s1;
	[sflag:s0] =	ssyncset.done @!p0 $0x0  }
0x3f: {  	[sflag:s0] =	ssyncadd.s32 @!p0 s1  }
0x40: {  	[bflag:$0x3] =	sbarrier.arrive $0xFFFF  }
0x41: {  	_ =	shalt  }

</sc_bundles>
